<compile_context>
chip_gen: v7x
topology: tpu7x:2x2x1
jax: 0.10.2.dev20260603
libtpu: 0.0.44.dev20260713+nightly
codegen_flags: <defaults>
</compile_context>

<pallas_src>
import functools

import jax
import jax.numpy as jnp
from jax import lax
from jax.experimental import pallas as pl
from jax.experimental.pallas import tpu as pltpu
from jax.experimental.pallas import tpu_sc as plsc

_NC = 2
_NS = 16
_NW = _NC * _NS
_C = 128
_NBUF = 5


@functools.partial(jax.jit, static_argnames=("bsz", "lsz", "dim"))
def _gather_sc(idx_t, table, bsz, lsz, dim):
    n = bsz * lsz
    m = lsz
    assert bsz == _NW * _C and m % _NBUF == 0 and m >= 2 * _NBUF
    mesh = plsc.VectorSubcoreMesh(core_axis_name="c", subcore_axis_name="s")

    @functools.partial(
        pl.kernel,
        out_type=jax.ShapeDtypeStruct((n, dim), table.dtype),
        mesh=mesh,
        scratch_types=[
            pltpu.VMEM((m, _C), jnp.int32),
            pltpu.VMEM((_NBUF, _C, dim), table.dtype),
            pltpu.SemaphoreType.DMA((_NBUF,)),
            pltpu.SemaphoreType.DMA((_NBUF,)),
        ],
    )
    def k(idx_hbm, table_hbm, out_hbm, idx_v, rows_v, gsem, wsem):
        wid = lax.axis_index("s") * _NC + lax.axis_index("c")
        col = wid * _C
        pltpu.sync_copy(idx_hbm.at[:, pl.ds(col, _C)], idx_v)

        def fire_gather(j, b):
            pltpu.async_copy(
                table_hbm.at[idx_v.at[j]], rows_v.at[b], gsem.at[b])

        def wait_gather(j, b):
            pltpu.make_async_copy(
                table_hbm.at[idx_v.at[j]], rows_v.at[b], gsem.at[b]).wait()

        def fire_write(j, b):
            pltpu.async_copy(
                rows_v.at[b], out_hbm.at[pl.ds(j * bsz + col, _C)],
                wsem.at[b])

        def wait_write(j, b):
            pltpu.make_async_copy(
                rows_v.at[b], out_hbm.at[pl.ds(j * bsz + col, _C)],
                wsem.at[b]).wait()

        for b in range(_NBUF):
            fire_gather(b, b)

        @pl.loop(0, m - _NBUF, step=_NBUF)
        def _(j0):
            for b in range(_NBUF):
                j = j0 + b
                wait_gather(j, b)
                fire_write(j, b)
                wait_write(j, b)
                fire_gather(j + _NBUF, b)

        for b in range(_NBUF):
            j = m - _NBUF + b
            wait_gather(j, b)
            fire_write(j, b)
        for b in range(_NBUF):
            wait_write(m - _NBUF + b, b)

    return k(idx_t, table)


def kernel(indices, table):
    b, l = indices.shape
    dim = table.shape[1]
    out = _gather_sc(indices.T, table, b, l, dim)
    return out.reshape(l, b, dim).transpose(1, 0, 2)

# --- scband reference (transcript-rebuilt; emitter-appended) ---
"""Pipeline reference for scband-word-embeddings-15771119911653 (READ-ONLY COPY).

The authoritative reference and input builder live on the scoring server;
editing this copy changes nothing except your own understanding.
"""

import jax, jax.numpy as jnp
import numpy as np

VOCAB = 1000000
DIM = 128
B = 4096
L = 50


def setup_inputs(seed: int = 0) -> dict:
    key = jax.random.key(seed)
    k1, k2 = jax.random.split(key)
    # token indices for a batch of sentences (word ids into the pretrained table)
    indices = jax.random.randint(k1, (B, L), 0, VOCAB, dtype=jnp.int32)
    # the precomputed static word-embedding table (e.g. GloVe / fastText style)
    table = jax.random.normal(k2, (VOCAB, DIM), dtype=jnp.float32) * 0.02
    return {"indices": indices, "table": table}


def reference(indices, table):
    # WordEmbeddings._add_embeddings_internal: for each token, look up its
    # static vector in the precomputed embedding table (OOV handling is a
    # dictionary fallback at tokenization time; numerically it is a pure gather).
    out = jnp.take(table, indices, axis=0)  # [B, L, DIM]
    return out

if __name__ == "__main__":
    import jax
    _d = setup_inputs()
    print(jax.jit(kernel)(*tuple(_d.values())))

</pallas_src>

<mosaic_0001>
#map = affine_map<(d0, d1) -> (0, 0)>
module attributes {stable_mosaic.version = 14 : i64} {
  func.func @k(%arg0: i32, %arg1: i32, %arg2: memref<50x4096xi32, #tpu.memory_space<hbm>>, %arg3: memref<1000000x128xf32, #tpu.memory_space<hbm>>, %arg4: memref<204800x128xf32, #tpu.memory_space<hbm>>, %arg5: memref<50x128xi32, #tpu.memory_space<vmem>>, %arg6: memref<5x128x128xf32, #tpu.memory_space<vmem>>, %arg7: memref<5x!tpu.dma_semaphore, #tpu.memory_space<semaphore_mem>>, %arg8: memref<5x!tpu.dma_semaphore, #tpu.memory_space<semaphore_mem>>) attributes {dimension_semantics = [#tpu.dimension_semantics<core_parallel>, #tpu.dimension_semantics<subcore_parallel>], iteration_bounds = array<i64: 2, 16>, scalar_prefetch = 0 : i64, scratch_operands = 4 : i64, tpu.core_type = #tpu.core_type<sc_vector_subcore>, window_params = [{transform_indices = #map}, {transform_indices = #map}, {transform_indices = #map}]} {
    %mul3A = arith.constant 2 : i32
    %mul3A_0 = arith.muli %arg1, %mul3A : i32
    %add3A = arith.addi %mul3A_0, %arg0 : i32
    %mul3A_1 = arith.constant 128 : i32
    %mul3A_2 = arith.muli %add3A, %mul3A_1 : i32
    "tpu.region"() ({
      %run_scoped3A = tpu.sem_alloc : memref<!tpu.dma_semaphore, #tpu.memory_space<semaphore_mem>>
      %dma_start3A_335 = arith.constant 0 : i32
      %dma_start3A_336 = tpu.memref_slice %arg2[%dma_start3A_335, %mul3A_2] : memref<50x4096xi32, #tpu.memory_space<hbm>> -> memref<50x128xi32, #tpu.memory_space<hbm>>
      %dma_start3A_337 = arith.constant 0 : i32
      %dma_start3A_338 = tpu.memref_slice %arg2[%dma_start3A_337, %mul3A_2] : memref<50x4096xi32, #tpu.memory_space<hbm>> -> memref<50x128xi32, #tpu.memory_space<hbm>>
      tpu.enqueue_dma source(%dma_start3A_338 : memref<50x128xi32, #tpu.memory_space<hbm>>) target(%arg5 : memref<50x128xi32, #tpu.memory_space<vmem>>) target_semaphore(%run_scoped3A : memref<!tpu.dma_semaphore, #tpu.memory_space<semaphore_mem>>)
      %dma_wait3A_339 = arith.constant 0 : i32
      %dma_wait3A_340 = tpu.memref_slice %arg2[%dma_wait3A_339, %mul3A_2] : memref<50x4096xi32, #tpu.memory_space<hbm>> -> memref<50x128xi32, #tpu.memory_space<hbm>>
      %dma_wait3A_341 = arith.constant 0 : i32
      %dma_wait3A_342 = tpu.memref_slice %arg2[%dma_wait3A_341, %mul3A_2] : memref<50x4096xi32, #tpu.memory_space<hbm>> -> memref<50x128xi32, #tpu.memory_space<hbm>>
      tpu.wait_dma2 semaphore(%run_scoped3A : memref<!tpu.dma_semaphore, #tpu.memory_space<semaphore_mem>>) src(%dma_wait3A_342 : memref<50x128xi32, #tpu.memory_space<hbm>>) dst(%arg5 : memref<50x128xi32, #tpu.memory_space<vmem>>)
      tpu.yield
    }) : () -> ()
    %dma_start3A = arith.constant 0 : i32
    %dma_start3A_3 = arith.constant 0 : i32
    %dma_start3A_4 = arith.constant 0 : i32
    %dma_start3A_5 = arith.constant 0 : i32
    %dma_start3A_6 = arith.constant 0 : i32
    %dma_start3A_7 = tpu.memref_slice %arg6[%dma_start3A_3, %dma_start3A_5, %dma_start3A_6] : memref<5x128x128xf32, #tpu.memory_space<vmem>> -> memref<1x128x128xf32, #tpu.memory_space<vmem>>
    %dma_start3A_8 = tpu.memref_squeeze %dma_start3A_7 : memref<1x128x128xf32, #tpu.memory_space<vmem>> -> memref<128x128xf32, #tpu.memory_space<vmem>>
    %dma_start3A_9 = arith.constant 0 : i32
    %dma_start3A_10 = tpu.memref_slice %arg5[%dma_start3A, %dma_start3A_9] : memref<50x128xi32, #tpu.memory_space<vmem>> -> memref<1x128xi32, #tpu.memory_space<vmem>>
    %dma_start3A_11 = tpu.memref_squeeze %dma_start3A_10 : memref<1x128xi32, #tpu.memory_space<vmem>> -> memref<128xi32, #tpu.memory_space<vmem>>
    %dma_start3A_12 = arith.constant 0 : i32
    %dma_start3A_13 = arith.constant 0 : i32
    %dma_start3A_14 = tpu.memref_slice %arg3[%dma_start3A_12, %dma_start3A_13] : memref<1000000x128xf32, #tpu.memory_space<hbm>> -> memref<1000000x128xf32, #tpu.memory_space<hbm>>
    %dma_start3A_15 = tpu.memref_slice %arg7[%dma_start3A_4] : memref<5x!tpu.dma_semaphore, #tpu.memory_space<semaphore_mem>> -> memref<1x!tpu.dma_semaphore, #tpu.memory_space<semaphore_mem>>
    %dma_start3A_16 = tpu.memref_squeeze %dma_start3A_15 : memref<1x!tpu.dma_semaphore, #tpu.memory_space<semaphore_mem>> -> memref<!tpu.dma_semaphore, #tpu.memory_space<semaphore_mem>>
    tpu.enqueue_indirect_dma source(%dma_start3A_14 : memref<1000000x128xf32, #tpu.memory_space<hbm>>) target(%dma_start3A_8 : memref<128x128xf32, #tpu.memory_space<vmem>>) offsets(%dma_start3A_11 : memref<128xi32, #tpu.memory_space<vmem>>) semaphore(%dma_start3A_16 : memref<!tpu.dma_semaphore, #tpu.memory_space<semaphore_mem>>)
    %dma_start3A_17 = arith.constant 1 : i32
    %dma_start3A_18 = arith.constant 1 : i32
    %dma_start3A_19 = arith.constant 1 : i32
    %dma_start3A_20 = arith.constant 0 : i32
    %dma_start3A_21 = arith.constant 0 : i32
    %dma_start3A_22 = tpu.memref_slice %arg6[%dma_start3A_18, %dma_start3A_20, %dma_start3A_21] : memref<5x128x128xf32, #tpu.memory_space<vmem>> -> memref<1x128x128xf32, #tpu.memory_space<vmem>>
    %dma_start3A_23 = tpu.memref_squeeze %dma_start3A_22 : memref<1x128x128xf32, #tpu.memory_space<vmem>> -> memref<128x128xf32, #tpu.memory_space<vmem>>
    %dma_start3A_24 = arith.constant 0 : i32
    %dma_start3A_25 = tpu.memref_slice %arg5[%dma_start3A_17, %dma_start3A_24] : memref<50x128xi32, #tpu.memory_space<vmem>> -> memref<1x128xi32, #tpu.memory_space<vmem>>
    %dma_start3A_26 = tpu.memref_squeeze %dma_start3A_25 : memref<1x128xi32, #tpu.memory_space<vmem>> -> memref<128xi32, #tpu.memory_space<vmem>>
    %dma_start3A_27 = arith.constant 0 : i32
    %dma_start3A_28 = arith.constant 0 : i32
    %dma_start3A_29 = tpu.memref_slice %arg3[%dma_start3A_27, %dma_start3A_28] : memref<1000000x128xf32, #tpu.memory_space<hbm>> -> memref<1000000x128xf32, #tpu.memory_space<hbm>>
    %dma_start3A_30 = tpu.memref_slice %arg7[%dma_start3A_19] : memref<5x!tpu.dma_semaphore, #tpu.memory_space<semaphore_mem>> -> memref<1x!tpu.dma_semaphore, #tpu.memory_space<semaphore_mem>>
    %dma_start3A_31 = tpu.memref_squeeze %dma_start3A_30 : memref<1x!tpu.dma_semaphore, #tpu.memory_space<semaphore_mem>> -> memref<!tpu.dma_semaphore, #tpu.memory_space<semaphore_mem>>
    tpu.enqueue_indirect_dma source(%dma_start3A_29 : memref<1000000x128xf32, #tpu.memory_space<hbm>>) target(%dma_start3A_23 : memref<128x128xf32, #tpu.memory_space<vmem>>) offsets(%dma_start3A_26 : memref<128xi32, #tpu.memory_space<vmem>>) semaphore(%dma_start3A_31 : memref<!tpu.dma_semaphore, #tpu.memory_space<semaphore_mem>>)
    %dma_start3A_32 = arith.constant 2 : i32
    %dma_start3A_33 = arith.constant 2 : i32
    %dma_start3A_34 = arith.constant 2 : i32
    %dma_start3A_35 = arith.constant 0 : i32
    %dma_start3A_36 = arith.constant 0 : i32
    %dma_start3A_37 = tpu.memref_slice %arg6[%dma_start3A_33, %dma_start3A_35, %dma_start3A_36] : memref<5x128x128xf32, #tpu.memory_space<vmem>> -> memref<1x128x128xf32, #tpu.memory_space<vmem>>
    %dma_start3A_38 = tpu.memref_squeeze %dma_start3A_37 : memref<1x128x128xf32, #tpu.memory_space<vmem>> -> memref<128x128xf32, #tpu.memory_space<vmem>>
    %dma_start3A_39 = arith.constant 0 : i32
    %dma_start3A_40 = tpu.memref_slice %arg5[%dma_start3A_32, %dma_start3A_39] : memref<50x128xi32, #tpu.memory_space<vmem>> -> memref<1x128xi32, #tpu.memory_space<vmem>>
    %dma_start3A_41 = tpu.memref_squeeze %dma_start3A_40 : memref<1x128xi32, #tpu.memory_space<vmem>> -> memref<128xi32, #tpu.memory_space<vmem>>
    %dma_start3A_42 = arith.constant 0 : i32
    %dma_start3A_43 = arith.constant 0 : i32
    %dma_start3A_44 = tpu.memref_slice %arg3[%dma_start3A_42, %dma_start3A_43] : memref<1000000x128xf32, #tpu.memory_space<hbm>> -> memref<1000000x128xf32, #tpu.memory_space<hbm>>
    %dma_start3A_45 = tpu.memref_slice %arg7[%dma_start3A_34] : memref<5x!tpu.dma_semaphore, #tpu.memory_space<semaphore_mem>> -> memref<1x!tpu.dma_semaphore, #tpu.memory_space<semaphore_mem>>
    %dma_start3A_46 = tpu.memref_squeeze %dma_start3A_45 : memref<1x!tpu.dma_semaphore, #tpu.memory_space<semaphore_mem>> -> memref<!tpu.dma_semaphore, #tpu.memory_space<semaphore_mem>>
    tpu.enqueue_indirect_dma source(%dma_start3A_44 : memref<1000000x128xf32, #tpu.memory_space<hbm>>) target(%dma_start3A_38 : memref<128x128xf32, #tpu.memory_space<vmem>>) offsets(%dma_start3A_41 : memref<128xi32, #tpu.memory_space<vmem>>) semaphore(%dma_start3A_46 : memref<!tpu.dma_semaphore, #tpu.memory_space<semaphore_mem>>)
    %dma_start3A_47 = arith.constant 3 : i32
    %dma_start3A_48 = arith.constant 3 : i32
    %dma_start3A_49 = arith.constant 3 : i32
    %dma_start3A_50 = arith.constant 0 : i32
    %dma_start3A_51 = arith.constant 0 : i32
    %dma_start3A_52 = tpu.memref_slice %arg6[%dma_start3A_48, %dma_start3A_50, %dma_start3A_51] : memref<5x128x128xf32, #tpu.memory_space<vmem>> -> memref<1x128x128xf32, #tpu.memory_space<vmem>>
    %dma_start3A_53 = tpu.memref_squeeze %dma_start3A_52 : memref<1x128x128xf32, #tpu.memory_space<vmem>> -> memref<128x128xf32, #tpu.memory_space<vmem>>
    %dma_start3A_54 = arith.constant 0 : i32
    %dma_start3A_55 = tpu.memref_slice %arg5[%dma_start3A_47, %dma_start3A_54] : memref<50x128xi32, #tpu.memory_space<vmem>> -> memref<1x128xi32, #tpu.memory_space<vmem>>
    %dma_start3A_56 = tpu.memref_squeeze %dma_start3A_55 : memref<1x128xi32, #tpu.memory_space<vmem>> -> memref<128xi32, #tpu.memory_space<vmem>>
    %dma_start3A_57 = arith.constant 0 : i32
    %dma_start3A_58 = arith.constant 0 : i32
    %dma_start3A_59 = tpu.memref_slice %arg3[%dma_start3A_57, %dma_start3A_58] : memref<1000000x128xf32, #tpu.memory_space<hbm>> -> memref<1000000x128xf32, #tpu.memory_space<hbm>>
    %dma_start3A_60 = tpu.memref_slice %arg7[%dma_start3A_49] : memref<5x!tpu.dma_semaphore, #tpu.memory_space<semaphore_mem>> -> memref<1x!tpu.dma_semaphore, #tpu.memory_space<semaphore_mem>>
    %dma_start3A_61 = tpu.memref_squeeze %dma_start3A_60 : memref<1x!tpu.dma_semaphore, #tpu.memory_space<semaphore_mem>> -> memref<!tpu.dma_semaphore, #tpu.memory_space<semaphore_mem>>
    tpu.enqueue_indirect_dma source(%dma_start3A_59 : memref<1000000x128xf32, #tpu.memory_space<hbm>>) target(%dma_start3A_53 : memref<128x128xf32, #tpu.memory_space<vmem>>) offsets(%dma_start3A_56 : memref<128xi32, #tpu.memory_space<vmem>>) semaphore(%dma_start3A_61 : memref<!tpu.dma_semaphore, #tpu.memory_space<semaphore_mem>>)
    %dma_start3A_62 = arith.constant 4 : i32
    %dma_start3A_63 = arith.constant 4 : i32
    %dma_start3A_64 = arith.constant 4 : i32
    %dma_start3A_65 = arith.constant 0 : i32
    %dma_start3A_66 = arith.constant 0 : i32
    %dma_start3A_67 = tpu.memref_slice %arg6[%dma_start3A_63, %dma_start3A_65, %dma_start3A_66] : memref<5x128x128xf32, #tpu.memory_space<vmem>> -> memref<1x128x128xf32, #tpu.memory_space<vmem>>
    %dma_start3A_68 = tpu.memref_squeeze %dma_start3A_67 : memref<1x128x128xf32, #tpu.memory_space<vmem>> -> memref<128x128xf32, #tpu.memory_space<vmem>>
    %dma_start3A_69 = arith.constant 0 : i32
    %dma_start3A_70 = tpu.memref_slice %arg5[%dma_start3A_62, %dma_start3A_69] : memref<50x128xi32, #tpu.memory_space<vmem>> -> memref<1x128xi32, #tpu.memory_space<vmem>>
    %dma_start3A_71 = tpu.memref_squeeze %dma_start3A_70 : memref<1x128xi32, #tpu.memory_space<vmem>> -> memref<128xi32, #tpu.memory_space<vmem>>
    %dma_start3A_72 = arith.constant 0 : i32
    %dma_start3A_73 = arith.constant 0 : i32
    %dma_start3A_74 = tpu.memref_slice %arg3[%dma_start3A_72, %dma_start3A_73] : memref<1000000x128xf32, #tpu.memory_space<hbm>> -> memref<1000000x128xf32, #tpu.memory_space<hbm>>
    %dma_start3A_75 = tpu.memref_slice %arg7[%dma_start3A_64] : memref<5x!tpu.dma_semaphore, #tpu.memory_space<semaphore_mem>> -> memref<1x!tpu.dma_semaphore, #tpu.memory_space<semaphore_mem>>
    %dma_start3A_76 = tpu.memref_squeeze %dma_start3A_75 : memref<1x!tpu.dma_semaphore, #tpu.memory_space<semaphore_mem>> -> memref<!tpu.dma_semaphore, #tpu.memory_space<semaphore_mem>>
    tpu.enqueue_indirect_dma source(%dma_start3A_74 : memref<1000000x128xf32, #tpu.memory_space<hbm>>) target(%dma_start3A_68 : memref<128x128xf32, #tpu.memory_space<vmem>>) offsets(%dma_start3A_71 : memref<128xi32, #tpu.memory_space<vmem>>) semaphore(%dma_start3A_76 : memref<!tpu.dma_semaphore, #tpu.memory_space<semaphore_mem>>)
    %scan3A = arith.constant 0 : i32
    %scan3A_77 = arith.constant 9 : i32
    %scan3A_78 = arith.addi %scan3A, %scan3A_77 : i32
    %scan3A_79 = arith.constant 1 : i32
    scf.for %scan3A_335 = %scan3A to %scan3A_78 step %scan3A_79  : i32 {
      %mul3A_336 = arith.constant 5 : i32
      %mul3A_337 = arith.muli %scan3A_335, %mul3A_336 : i32
      %add3A_338 = arith.constant 0 : i32
      %add3A_339 = arith.addi %add3A_338, %mul3A_337 : i32
      %add3A_340 = arith.constant 0 : i32
      %add3A_341 = arith.addi %add3A_339, %add3A_340 : i32
      %dma_wait3A_342 = arith.constant 0 : i32
      %dma_wait3A_343 = arith.constant 0 : i32
      %dma_wait3A_344 = arith.constant 0 : i32
      %dma_wait3A_345 = arith.constant 0 : i32
      %dma_wait3A_346 = tpu.memref_slice %arg6[%dma_wait3A_342, %dma_wait3A_344, %dma_wait3A_345] : memref<5x128x128xf32, #tpu.memory_space<vmem>> -> memref<1x128x128xf32, #tpu.memory_space<vmem>>
      %dma_wait3A_347 = tpu.memref_squeeze %dma_wait3A_346 : memref<1x128x128xf32, #tpu.memory_space<vmem>> -> memref<128x128xf32, #tpu.memory_space<vmem>>
      %dma_wait3A_348 = arith.constant 0 : i32
      %dma_wait3A_349 = tpu.memref_slice %arg5[%add3A_341, %dma_wait3A_348] : memref<50x128xi32, #tpu.memory_space<vmem>> -> memref<1x128xi32, #tpu.memory_space<vmem>>
      %dma_wait3A_350 = tpu.memref_squeeze %dma_wait3A_349 : memref<1x128xi32, #tpu.memory_space<vmem>> -> memref<128xi32, #tpu.memory_space<vmem>>
      %dma_wait3A_351 = arith.constant 0 : i32
      %dma_wait3A_352 = arith.constant 0 : i32
      %dma_wait3A_353 = tpu.memref_slice %arg3[%dma_wait3A_351, %dma_wait3A_352] : memref<1000000x128xf32, #tpu.memory_space<hbm>> -> memref<1000000x128xf32, #tpu.memory_space<hbm>>
      %dma_wait3A_354 = tpu.memref_slice %arg7[%dma_wait3A_343] : memref<5x!tpu.dma_semaphore, #tpu.memory_space<semaphore_mem>> -> memref<1x!tpu.dma_semaphore, #tpu.memory_space<semaphore_mem>>
      %dma_wait3A_355 = tpu.memref_squeeze %dma_wait3A_354 : memref<1x!tpu.dma_semaphore, #tpu.memory_space<semaphore_mem>> -> memref<!tpu.dma_semaphore, #tpu.memory_space<semaphore_mem>>
      tpu.wait_indirect_dma semaphore(%dma_wait3A_355 : memref<!tpu.dma_semaphore, #tpu.memory_space<semaphore_mem>>) src(%dma_wait3A_353 : memref<1000000x128xf32, #tpu.memory_space<hbm>>) dst(%dma_wait3A_347 : memref<128x128xf32, #tpu.memory_space<vmem>>)
      %mul3A_356 = arith.constant 4096 : i32
      %mul3A_357 = arith.muli %add3A_341, %mul3A_356 : i32
      %add3A_358 = arith.addi %mul3A_357, %mul3A_2 : i32
      %dma_start3A_359 = arith.constant 0 : i32
      %dma_start3A_360 = arith.constant 0 : i32
      %dma_start3A_361 = arith.constant 0 : i32
      %dma_start3A_362 = arith.constant 0 : i32
      %dma_start3A_363 = tpu.memref_slice %arg6[%dma_start3A_359, %dma_start3A_361, %dma_start3A_362] : memref<5x128x128xf32, #tpu.memory_space<vmem>> -> memref<1x128x128xf32, #tpu.memory_space<vmem>>
      %dma_start3A_364 = tpu.memref_squeeze %dma_start3A_363 : memref<1x128x128xf32, #tpu.memory_space<vmem>> -> memref<128x128xf32, #tpu.memory_space<vmem>>
      %dma_start3A_365 = arith.constant 0 : i32
      %dma_start3A_366 = tpu.memref_slice %arg4[%add3A_358, %dma_start3A_365] : memref<204800x128xf32, #tpu.memory_space<hbm>> -> memref<128x128xf32, #tpu.memory_space<hbm>>
      %dma_start3A_367 = tpu.memref_slice %arg8[%dma_start3A_360] : memref<5x!tpu.dma_semaphore, #tpu.memory_space<semaphore_mem>> -> memref<1x!tpu.dma_semaphore, #tpu.memory_space<semaphore_mem>>
      %dma_start3A_368 = tpu.memref_squeeze %dma_start3A_367 : memref<1x!tpu.dma_semaphore, #tpu.memory_space<semaphore_mem>> -> memref<!tpu.dma_semaphore, #tpu.memory_space<semaphore_mem>>
      %dma_start3A_369 = arith.constant 0 : i32
      %dma_start3A_370 = tpu.memref_slice %arg4[%add3A_358, %dma_start3A_369] : memref<204800x128xf32, #tpu.memory_space<hbm>> -> memref<128x128xf32, #tpu.memory_space<hbm>>
      %dma_start3A_371 = arith.constant 0 : i32
      %dma_start3A_372 = arith.constant 0 : i32
      %dma_start3A_373 = tpu.memref_slice %arg6[%dma_start3A_359, %dma_start3A_371, %dma_start3A_372] : memref<5x128x128xf32, #tpu.memory_space<vmem>> -> memref<1x128x128xf32, #tpu.memory_space<vmem>>
      %dma_start3A_374 = tpu.memref_squeeze %dma_start3A_373 : memref<1x128x128xf32, #tpu.memory_space<vmem>> -> memref<128x128xf32, #tpu.memory_space<vmem>>
      tpu.enqueue_dma source(%dma_start3A_374 : memref<128x128xf32, #tpu.memory_space<vmem>>) target(%dma_start3A_370 : memref<128x128xf32, #tpu.memory_space<hbm>>) target_semaphore(%dma_start3A_368 : memref<!tpu.dma_semaphore, #tpu.memory_space<semaphore_mem>>)
      %mul3A_375 = arith.constant 4096 : i32
      %mul3A_376 = arith.muli %add3A_341, %mul3A_375 : i32
      %add3A_377 = arith.addi %mul3A_376, %mul3A_2 : i32
      %dma_wait3A_378 = arith.constant 0 : i32
      %dma_wait3A_379 = arith.constant 0 : i32
      %dma_wait3A_380 = arith.constant 0 : i32
      %dma_wait3A_381 = arith.constant 0 : i32
      %dma_wait3A_382 = tpu.memref_slice %arg6[%dma_wait3A_378, %dma_wait3A_380, %dma_wait3A_381] : memref<5x128x128xf32, #tpu.memory_space<vmem>> -> memref<1x128x128xf32, #tpu.memory_space<vmem>>
      %dma_wait3A_383 = tpu.memref_squeeze %dma_wait3A_382 : memref<1x128x128xf32, #tpu.memory_space<vmem>> -> memref<128x128xf32, #tpu.memory_space<vmem>>
      %dma_wait3A_384 = arith.constant 0 : i32
      %dma_wait3A_385 = tpu.memref_slice %arg4[%add3A_377, %dma_wait3A_384] : memref<204800x128xf32, #tpu.memory_space<hbm>> -> memref<128x128xf32, #tpu.memory_space<hbm>>
      %dma_wait3A_386 = tpu.memref_slice %arg8[%dma_wait3A_379] : memref<5x!tpu.dma_semaphore, #tpu.memory_space<semaphore_mem>> -> memref<1x!tpu.dma_semaphore, #tpu.memory_space<semaphore_mem>>
      %dma_wait3A_387 = tpu.memref_squeeze %dma_wait3A_386 : memref<1x!tpu.dma_semaphore, #tpu.memory_space<semaphore_mem>> -> memref<!tpu.dma_semaphore, #tpu.memory_space<semaphore_mem>>
      %dma_wait3A_388 = arith.constant 0 : i32
      %dma_wait3A_389 = tpu.memref_slice %arg4[%add3A_377, %dma_wait3A_388] : memref<204800x128xf32, #tpu.memory_space<hbm>> -> memref<128x128xf32, #tpu.memory_space<hbm>>
      %dma_wait3A_390 = arith.constant 0 : i32
      %dma_wait3A_391 = arith.constant 0 : i32
      %dma_wait3A_392 = tpu.memref_slice %arg6[%dma_wait3A_378, %dma_wait3A_390, %dma_wait3A_391] : memref<5x128x128xf32, #tpu.memory_space<vmem>> -> memref<1x128x128xf32, #tpu.memory_space<vmem>>
      %dma_wait3A_393 = tpu.memref_squeeze %dma_wait3A_392 : memref<1x128x128xf32, #tpu.memory_space<vmem>> -> memref<128x128xf32, #tpu.memory_space<vmem>>
      tpu.wait_dma2 semaphore(%dma_wait3A_387 : memref<!tpu.dma_semaphore, #tpu.memory_space<semaphore_mem>>) src(%dma_wait3A_393 : memref<128x128xf32, #tpu.memory_space<vmem>>) dst(%dma_wait3A_389 : memref<128x128xf32, #tpu.memory_space<hbm>>)
      %add3A_394 = arith.constant 5 : i32
      %add3A_395 = arith.addi %add3A_341, %add3A_394 : i32
      %dma_start3A_396 = arith.constant 0 : i32
      %dma_start3A_397 = arith.constant 0 : i32
      %dma_start3A_398 = arith.constant 0 : i32
      %dma_start3A_399 = arith.constant 0 : i32
      %dma_start3A_400 = tpu.memref_slice %arg6[%dma_start3A_396, %dma_start3A_398, %dma_start3A_399] : memref<5x128x128xf32, #tpu.memory_space<vmem>> -> memref<1x128x128xf32, #tpu.memory_space<vmem>>
      %dma_start3A_401 = tpu.memref_squeeze %dma_start3A_400 : memref<1x128x128xf32, #tpu.memory_space<vmem>> -> memref<128x128xf32, #tpu.memory_space<vmem>>
      %dma_start3A_402 = arith.constant 0 : i32
      %dma_start3A_403 = tpu.memref_slice %arg5[%add3A_395, %dma_start3A_402] : memref<50x128xi32, #tpu.memory_space<vmem>> -> memref<1x128xi32, #tpu.memory_space<vmem>>
      %dma_start3A_404 = tpu.memref_squeeze %dma_start3A_403 : memref<1x128xi32, #tpu.memory_space<vmem>> -> memref<128xi32, #tpu.memory_space<vmem>>
      %dma_start3A_405 = arith.constant 0 : i32
      %dma_start3A_406 = arith.constant 0 : i32
      %dma_start3A_407 = tpu.memref_slice %arg3[%dma_start3A_405, %dma_start3A_406] : memref<1000000x128xf32, #tpu.memory_space<hbm>> -> memref<1000000x128xf32, #tpu.memory_space<hbm>>
      %dma_start3A_408 = tpu.memref_slice %arg7[%dma_start3A_397] : memref<5x!tpu.dma_semaphore, #tpu.memory_space<semaphore_mem>> -> memref<1x!tpu.dma_semaphore, #tpu.memory_space<semaphore_mem>>
      %dma_start3A_409 = tpu.memref_squeeze %dma_start3A_408 : memref<1x!tpu.dma_semaphore, #tpu.memory_space<semaphore_mem>> -> memref<!tpu.dma_semaphore, #tpu.memory_space<semaphore_mem>>
      tpu.enqueue_indirect_dma source(%dma_start3A_407 : memref<1000000x128xf32, #tpu.memory_space<hbm>>) target(%dma_start3A_401 : memref<128x128xf32, #tpu.memory_space<vmem>>) offsets(%dma_start3A_404 : memref<128xi32, #tpu.memory_space<vmem>>) semaphore(%dma_start3A_409 : memref<!tpu.dma_semaphore, #tpu.memory_space<semaphore_mem>>)
      %add3A_410 = arith.constant 1 : i32
      %add3A_411 = arith.addi %add3A_339, %add3A_410 : i32
      %dma_wait3A_412 = arith.constant 1 : i32
      %dma_wait3A_413 = arith.constant 1 : i32
      %dma_wait3A_414 = arith.constant 0 : i32
      %dma_wait3A_415 = arith.constant 0 : i32
      %dma_wait3A_416 = tpu.memref_slice %arg6[%dma_wait3A_412, %dma_wait3A_414, %dma_wait3A_415] : memref<5x128x128xf32, #tpu.memory_space<vmem>> -> memref<1x128x128xf32, #tpu.memory_space<vmem>>
      %dma_wait3A_417 = tpu.memref_squeeze %dma_wait3A_416 : memref<1x128x128xf32, #tpu.memory_space<vmem>> -> memref<128x128xf32, #tpu.memory_space<vmem>>
      %dma_wait3A_418 = arith.constant 0 : i32
      %dma_wait3A_419 = tpu.memref_slice %arg5[%add3A_411, %dma_wait3A_418] : memref<50x128xi32, #tpu.memory_space<vmem>> -> memref<1x128xi32, #tpu.memory_space<vmem>>
      %dma_wait3A_420 = tpu.memref_squeeze %dma_wait3A_419 : memref<1x128xi32, #tpu.memory_space<vmem>> -> memref<128xi32, #tpu.memory_space<vmem>>
      %dma_wait3A_421 = arith.constant 0 : i32
      %dma_wait3A_422 = arith.constant 0 : i32
      %dma_wait3A_423 = tpu.memref_slice %arg3[%dma_wait3A_421, %dma_wait3A_422] : memref<1000000x128xf32, #tpu.memory_space<hbm>> -> memref<1000000x128xf32, #tpu.memory_space<hbm>>
      %dma_wait3A_424 = tpu.memref_slice %arg7[%dma_wait3A_413] : memref<5x!tpu.dma_semaphore, #tpu.memory_space<semaphore_mem>> -> memref<1x!tpu.dma_semaphore, #tpu.memory_space<semaphore_mem>>
      %dma_wait3A_425 = tpu.memref_squeeze %dma_wait3A_424 : memref<1x!tpu.dma_semaphore, #tpu.memory_space<semaphore_mem>> -> memref<!tpu.dma_semaphore, #tpu.memory_space<semaphore_mem>>
      tpu.wait_indirect_dma semaphore(%dma_wait3A_425 : memref<!tpu.dma_semaphore, #tpu.memory_space<semaphore_mem>>) src(%dma_wait3A_423 : memref<1000000x128xf32, #tpu.memory_space<hbm>>) dst(%dma_wait3A_417 : memref<128x128xf32, #tpu.memory_space<vmem>>)
      %mul3A_426 = arith.constant 4096 : i32
      %mul3A_427 = arith.muli %add3A_411, %mul3A_426 : i32
      %add3A_428 = arith.addi %mul3A_427, %mul3A_2 : i32
      %dma_start3A_429 = arith.constant 1 : i32
      %dma_start3A_430 = arith.constant 1 : i32
      %dma_start3A_431 = arith.constant 0 : i32
      %dma_start3A_432 = arith.constant 0 : i32
      %dma_start3A_433 = tpu.memref_slice %arg6[%dma_start3A_429, %dma_start3A_431, %dma_start3A_432] : memref<5x128x128xf32, #tpu.memory_space<vmem>> -> memref<1x128x128xf32, #tpu.memory_space<vmem>>
      %dma_start3A_434 = tpu.memref_squeeze %dma_start3A_433 : memref<1x128x128xf32, #tpu.memory_space<vmem>> -> memref<128x128xf32, #tpu.memory_space<vmem>>
      %dma_start3A_435 = arith.constant 0 : i32
      %dma_start3A_436 = tpu.memref_slice %arg4[%add3A_428, %dma_start3A_435] : memref<204800x128xf32, #tpu.memory_space<hbm>> -> memref<128x128xf32, #tpu.memory_space<hbm>>
      %dma_start3A_437 = tpu.memref_slice %arg8[%dma_start3A_430] : memref<5x!tpu.dma_semaphore, #tpu.memory_space<semaphore_mem>> -> memref<1x!tpu.dma_semaphore, #tpu.memory_space<semaphore_mem>>
      %dma_start3A_438 = tpu.memref_squeeze %dma_start3A_437 : memref<1x!tpu.dma_semaphore, #tpu.memory_space<semaphore_mem>> -> memref<!tpu.dma_semaphore, #tpu.memory_space<semaphore_mem>>
      %dma_start3A_439 = arith.constant 0 : i32
      %dma_start3A_440 = tpu.memref_slice %arg4[%add3A_428, %dma_start3A_439] : memref<204800x128xf32, #tpu.memory_space<hbm>> -> memref<128x128xf32, #tpu.memory_space<hbm>>
      %dma_start3A_441 = arith.constant 0 : i32
      %dma_start3A_442 = arith.constant 0 : i32
      %dma_start3A_443 = tpu.memref_slice %arg6[%dma_start3A_429, %dma_start3A_441, %dma_start3A_442] : memref<5x128x128xf32, #tpu.memory_space<vmem>> -> memref<1x128x128xf32, #tpu.memory_space<vmem>>
      %dma_start3A_444 = tpu.memref_squeeze %dma_start3A_443 : memref<1x128x128xf32, #tpu.memory_space<vmem>> -> memref<128x128xf32, #tpu.memory_space<vmem>>
      tpu.enqueue_dma source(%dma_start3A_444 : memref<128x128xf32, #tpu.memory_space<vmem>>) target(%dma_start3A_440 : memref<128x128xf32, #tpu.memory_space<hbm>>) target_semaphore(%dma_start3A_438 : memref<!tpu.dma_semaphore, #tpu.memory_space<semaphore_mem>>)
      %mul3A_445 = arith.constant 4096 : i32
      %mul3A_446 = arith.muli %add3A_411, %mul3A_445 : i32
      %add3A_447 = arith.addi %mul3A_446, %mul3A_2 : i32
      %dma_wait3A_448 = arith.constant 1 : i32
      %dma_wait3A_449 = arith.constant 1 : i32
      %dma_wait3A_450 = arith.constant 0 : i32
      %dma_wait3A_451 = arith.constant 0 : i32
      %dma_wait3A_452 = tpu.memref_slice %arg6[%dma_wait3A_448, %dma_wait3A_450, %dma_wait3A_451] : memref<5x128x128xf32, #tpu.memory_space<vmem>> -> memref<1x128x128xf32, #tpu.memory_space<vmem>>
      %dma_wait3A_453 = tpu.memref_squeeze %dma_wait3A_452 : memref<1x128x128xf32, #tpu.memory_space<vmem>> -> memref<128x128xf32, #tpu.memory_space<vmem>>
      %dma_wait3A_454 = arith.constant 0 : i32
      %dma_wait3A_455 = tpu.memref_slice %arg4[%add3A_447, %dma_wait3A_454] : memref<204800x128xf32, #tpu.memory_space<hbm>> -> memref<128x128xf32, #tpu.memory_space<hbm>>
      %dma_wait3A_456 = tpu.memref_slice %arg8[%dma_wait3A_449] : memref<5x!tpu.dma_semaphore, #tpu.memory_space<semaphore_mem>> -> memref<1x!tpu.dma_semaphore, #tpu.memory_space<semaphore_mem>>
      %dma_wait3A_457 = tpu.memref_squeeze %dma_wait3A_456 : memref<1x!tpu.dma_semaphore, #tpu.memory_space<semaphore_mem>> -> memref<!tpu.dma_semaphore, #tpu.memory_space<semaphore_mem>>
      %dma_wait3A_458 = arith.constant 0 : i32
      %dma_wait3A_459 = tpu.memref_slice %arg4[%add3A_447, %dma_wait3A_458] : memref<204800x128xf32, #tpu.memory_space<hbm>> -> memref<128x128xf32, #tpu.memory_space<hbm>>
      %dma_wait3A_460 = arith.constant 0 : i32
      %dma_wait3A_461 = arith.constant 0 : i32
      %dma_wait3A_462 = tpu.memref_slice %arg6[%dma_wait3A_448, %dma_wait3A_460, %dma_wait3A_461] : memref<5x128x128xf32, #tpu.memory_space<vmem>> -> memref<1x128x128xf32, #tpu.memory_space<vmem>>
      %dma_wait3A_463 = tpu.memref_squeeze %dma_wait3A_462 : memref<1x128x128xf32, #tpu.memory_space<vmem>> -> memref<128x128xf32, #tpu.memory_space<vmem>>
      tpu.wait_dma2 semaphore(%dma_wait3A_457 : memref<!tpu.dma_semaphore, #tpu.memory_space<semaphore_mem>>) src(%dma_wait3A_463 : memref<128x128xf32, #tpu.memory_space<vmem>>) dst(%dma_wait3A_459 : memref<128x128xf32, #tpu.memory_space<hbm>>)
      %add3A_464 = arith.constant 5 : i32
      %add3A_465 = arith.addi %add3A_411, %add3A_464 : i32
      %dma_start3A_466 = arith.constant 1 : i32
      %dma_start3A_467 = arith.constant 1 : i32
      %dma_start3A_468 = arith.constant 0 : i32
      %dma_start3A_469 = arith.constant 0 : i32
      %dma_start3A_470 = tpu.memref_slice %arg6[%dma_start3A_466, %dma_start3A_468, %dma_start3A_469] : memref<5x128x128xf32, #tpu.memory_space<vmem>> -> memref<1x128x128xf32, #tpu.memory_space<vmem>>
      %dma_start3A_471 = tpu.memref_squeeze %dma_start3A_470 : memref<1x128x128xf32, #tpu.memory_space<vmem>> -> memref<128x128xf32, #tpu.memory_space<vmem>>
      %dma_start3A_472 = arith.constant 0 : i32
      %dma_start3A_473 = tpu.memref_slice %arg5[%add3A_465, %dma_start3A_472] : memref<50x128xi32, #tpu.memory_space<vmem>> -> memref<1x128xi32, #tpu.memory_space<vmem>>
      %dma_start3A_474 = tpu.memref_squeeze %dma_start3A_473 : memref<1x128xi32, #tpu.memory_space<vmem>> -> memref<128xi32, #tpu.memory_space<vmem>>
      %dma_start3A_475 = arith.constant 0 : i32
      %dma_start3A_476 = arith.constant 0 : i32
      %dma_start3A_477 = tpu.memref_slice %arg3[%dma_start3A_475, %dma_start3A_476] : memref<1000000x128xf32, #tpu.memory_space<hbm>> -> memref<1000000x128xf32, #tpu.memory_space<hbm>>
      %dma_start3A_478 = tpu.memref_slice %arg7[%dma_start3A_467] : memref<5x!tpu.dma_semaphore, #tpu.memory_space<semaphore_mem>> -> memref<1x!tpu.dma_semaphore, #tpu.memory_space<semaphore_mem>>
      %dma_start3A_479 = tpu.memref_squeeze %dma_start3A_478 : memref<1x!tpu.dma_semaphore, #tpu.memory_space<semaphore_mem>> -> memref<!tpu.dma_semaphore, #tpu.memory_space<semaphore_mem>>
      tpu.enqueue_indirect_dma source(%dma_start3A_477 : memref<1000000x128xf32, #tpu.memory_space<hbm>>) target(%dma_start3A_471 : memref<128x128xf32, #tpu.memory_space<vmem>>) offsets(%dma_start3A_474 : memref<128xi32, #tpu.memory_space<vmem>>) semaphore(%dma_start3A_479 : memref<!tpu.dma_semaphore, #tpu.memory_space<semaphore_mem>>)
      %add3A_480 = arith.constant 2 : i32
      %add3A_481 = arith.addi %add3A_339, %add3A_480 : i32
      %dma_wait3A_482 = arith.constant 2 : i32
      %dma_wait3A_483 = arith.constant 2 : i32
      %dma_wait3A_484 = arith.constant 0 : i32
      %dma_wait3A_485 = arith.constant 0 : i32
      %dma_wait3A_486 = tpu.memref_slice %arg6[%dma_wait3A_482, %dma_wait3A_484, %dma_wait3A_485] : memref<5x128x128xf32, #tpu.memory_space<vmem>> -> memref<1x128x128xf32, #tpu.memory_space<vmem>>
      %dma_wait3A_487 = tpu.memref_squeeze %dma_wait3A_486 : memref<1x128x128xf32, #tpu.memory_space<vmem>> -> memref<128x128xf32, #tpu.memory_space<vmem>>
      %dma_wait3A_488 = arith.constant 0 : i32
      %dma_wait3A_489 = tpu.memref_slice %arg5[%add3A_481, %dma_wait3A_488] : memref<50x128xi32, #tpu.memory_space<vmem>> -> memref<1x128xi32, #tpu.memory_space<vmem>>
      %dma_wait3A_490 = tpu.memref_squeeze %dma_wait3A_489 : memref<1x128xi32, #tpu.memory_space<vmem>> -> memref<128xi32, #tpu.memory_space<vmem>>
      %dma_wait3A_491 = arith.constant 0 : i32
      %dma_wait3A_492 = arith.constant 0 : i32
      %dma_wait3A_493 = tpu.memref_slice %arg3[%dma_wait3A_491, %dma_wait3A_492] : memref<1000000x128xf32, #tpu.memory_space<hbm>> -> memref<1000000x128xf32, #tpu.memory_space<hbm>>
      %dma_wait3A_494 = tpu.memref_slice %arg7[%dma_wait3A_483] : memref<5x!tpu.dma_semaphore, #tpu.memory_space<semaphore_mem>> -> memref<1x!tpu.dma_semaphore, #tpu.memory_space<semaphore_mem>>
      %dma_wait3A_495 = tpu.memref_squeeze %dma_wait3A_494 : memref<1x!tpu.dma_semaphore, #tpu.memory_space<semaphore_mem>> -> memref<!tpu.dma_semaphore, #tpu.memory_space<semaphore_mem>>
      tpu.wait_indirect_dma semaphore(%dma_wait3A_495 : memref<!tpu.dma_semaphore, #tpu.memory_space<semaphore_mem>>) src(%dma_wait3A_493 : memref<1000000x128xf32, #tpu.memory_space<hbm>>) dst(%dma_wait3A_487 : memref<128x128xf32, #tpu.memory_space<vmem>>)
      %mul3A_496 = arith.constant 4096 : i32
      %mul3A_497 = arith.muli %add3A_481, %mul3A_496 : i32
      %add3A_498 = arith.addi %mul3A_497, %mul3A_2 : i32
      %dma_start3A_499 = arith.constant 2 : i32
      %dma_start3A_500 = arith.constant 2 : i32
      %dma_start3A_501 = arith.constant 0 : i32
      %dma_start3A_502 = arith.constant 0 : i32
      %dma_start3A_503 = tpu.memref_slice %arg6[%dma_start3A_499, %dma_start3A_501, %dma_start3A_502] : memref<5x128x128xf32, #tpu.memory_space<vmem>> -> memref<1x128x128xf32, #tpu.memory_space<vmem>>
      %dma_start3A_504 = tpu.memref_squeeze %dma_start3A_503 : memref<1x128x128xf32, #tpu.memory_space<vmem>> -> memref<128x128xf32, #tpu.memory_space<vmem>>
      %dma_start3A_505 = arith.constant 0 : i32
      %dma_start3A_506 = tpu.memref_slice %arg4[%add3A_498, %dma_start3A_505] : memref<204800x128xf32, #tpu.memory_space<hbm>> -> memref<128x128xf32, #tpu.memory_space<hbm>>
      %dma_start3A_507 = tpu.memref_slice %arg8[%dma_start3A_500] : memref<5x!tpu.dma_semaphore, #tpu.memory_space<semaphore_mem>> -> memref<1x!tpu.dma_semaphore, #tpu.memory_space<semaphore_mem>>
      %dma_start3A_508 = tpu.memref_squeeze %dma_start3A_507 : memref<1x!tpu.dma_semaphore, #tpu.memory_space<semaphore_mem>> -> memref<!tpu.dma_semaphore, #tpu.memory_space<semaphore_mem>>
      %dma_start3A_509 = arith.constant 0 : i32
      %dma_start3A_510 = tpu.memref_slice %arg4[%add3A_498, %dma_start3A_509] : memref<204800x128xf32, #tpu.memory_space<hbm>> -> memref<128x128xf32, #tpu.memory_space<hbm>>
      %dma_start3A_511 = arith.constant 0 : i32
      %dma_start3A_512 = arith.constant 0 : i32
      %dma_start3A_513 = tpu.memref_slice %arg6[%dma_start3A_499, %dma_start3A_511, %dma_start3A_512] : memref<5x128x128xf32, #tpu.memory_space<vmem>> -> memref<1x128x128xf32, #tpu.memory_space<vmem>>
      %dma_start3A_514 = tpu.memref_squeeze %dma_start3A_513 : memref<1x128x128xf32, #tpu.memory_space<vmem>> -> memref<128x128xf32, #tpu.memory_space<vmem>>
      tpu.enqueue_dma source(%dma_start3A_514 : memref<128x128xf32, #tpu.memory_space<vmem>>) target(%dma_start3A_510 : memref<128x128xf32, #tpu.memory_space<hbm>>) target_semaphore(%dma_start3A_508 : memref<!tpu.dma_semaphore, #tpu.memory_space<semaphore_mem>>)
      %mul3A_515 = arith.constant 4096 : i32
      %mul3A_516 = arith.muli %add3A_481, %mul3A_515 : i32
      %add3A_517 = arith.addi %mul3A_516, %mul3A_2 : i32
      %dma_wait3A_518 = arith.constant 2 : i32
      %dma_wait3A_519 = arith.constant 2 : i32
      %dma_wait3A_520 = arith.constant 0 : i32
      %dma_wait3A_521 = arith.constant 0 : i32
      %dma_wait3A_522 = tpu.memref_slice %arg6[%dma_wait3A_518, %dma_wait3A_520, %dma_wait3A_521] : memref<5x128x128xf32, #tpu.memory_space<vmem>> -> memref<1x128x128xf32, #tpu.memory_space<vmem>>
      %dma_wait3A_523 = tpu.memref_squeeze %dma_wait3A_522 : memref<1x128x128xf32, #tpu.memory_space<vmem>> -> memref<128x128xf32, #tpu.memory_space<vmem>>
      %dma_wait3A_524 = arith.constant 0 : i32
      %dma_wait3A_525 = tpu.memref_slice %arg4[%add3A_517, %dma_wait3A_524] : memref<204800x128xf32, #tpu.memory_space<hbm>> -> memref<128x128xf32, #tpu.memory_space<hbm>>
      %dma_wait3A_526 = tpu.memref_slice %arg8[%dma_wait3A_519] : memref<5x!tpu.dma_semaphore, #tpu.memory_space<semaphore_mem>> -> memref<1x!tpu.dma_semaphore, #tpu.memory_space<semaphore_mem>>
      %dma_wait3A_527 = tpu.memref_squeeze %dma_wait3A_526 : memref<1x!tpu.dma_semaphore, #tpu.memory_space<semaphore_mem>> -> memref<!tpu.dma_semaphore, #tpu.memory_space<semaphore_mem>>
      %dma_wait3A_528 = arith.constant 0 : i32
      %dma_wait3A_529 = tpu.memref_slice %arg4[%add3A_517, %dma_wait3A_528] : memref<204800x128xf32, #tpu.memory_space<hbm>> -> memref<128x128xf32, #tpu.memory_space<hbm>>
      %dma_wait3A_530 = arith.constant 0 : i32
      %dma_wait3A_531 = arith.constant 0 : i32
      %dma_wait3A_532 = tpu.memref_slice %arg6[%dma_wait3A_518, %dma_wait3A_530, %dma_wait3A_531] : memref<5x128x128xf32, #tpu.memory_space<vmem>> -> memref<1x128x128xf32, #tpu.memory_space<vmem>>
      %dma_wait3A_533 = tpu.memref_squeeze %dma_wait3A_532 : memref<1x128x128xf32, #tpu.memory_space<vmem>> -> memref<128x128xf32, #tpu.memory_space<vmem>>
      tpu.wait_dma2 semaphore(%dma_wait3A_527 : memref<!tpu.dma_semaphore, #tpu.memory_space<semaphore_mem>>) src(%dma_wait3A_533 : memref<128x128xf32, #tpu.memory_space<vmem>>) dst(%dma_wait3A_529 : memref<128x128xf32, #tpu.memory_space<hbm>>)
      %add3A_534 = arith.constant 5 : i32
      %add3A_535 = arith.addi %add3A_481, %add3A_534 : i32
      %dma_start3A_536 = arith.constant 2 : i32
      %dma_start3A_537 = arith.constant 2 : i32
      %dma_start3A_538 = arith.constant 0 : i32
      %dma_start3A_539 = arith.constant 0 : i32
      %dma_start3A_540 = tpu.memref_slice %arg6[%dma_start3A_536, %dma_start3A_538, %dma_start3A_539] : memref<5x128x128xf32, #tpu.memory_space<vmem>> -> memref<1x128x128xf32, #tpu.memory_space<vmem>>
      %dma_start3A_541 = tpu.memref_squeeze %dma_start3A_540 : memref<1x128x128xf32, #tpu.memory_space<vmem>> -> memref<128x128xf32, #tpu.memory_space<vmem>>
      %dma_start3A_542 = arith.constant 0 : i32
      %dma_start3A_543 = tpu.memref_slice %arg5[%add3A_535, %dma_start3A_542] : memref<50x128xi32, #tpu.memory_space<vmem>> -> memref<1x128xi32, #tpu.memory_space<vmem>>
      %dma_start3A_544 = tpu.memref_squeeze %dma_start3A_543 : memref<1x128xi32, #tpu.memory_space<vmem>> -> memref<128xi32, #tpu.memory_space<vmem>>
      %dma_start3A_545 = arith.constant 0 : i32
      %dma_start3A_546 = arith.constant 0 : i32
      %dma_start3A_547 = tpu.memref_slice %arg3[%dma_start3A_545, %dma_start3A_546] : memref<1000000x128xf32, #tpu.memory_space<hbm>> -> memref<1000000x128xf32, #tpu.memory_space<hbm>>
      %dma_start3A_548 = tpu.memref_slice %arg7[%dma_start3A_537] : memref<5x!tpu.dma_semaphore, #tpu.memory_space<semaphore_mem>> -> memref<1x!tpu.dma_semaphore, #tpu.memory_space<semaphore_mem>>
      %dma_start3A_549 = tpu.memref_squeeze %dma_start3A_548 : memref<1x!tpu.dma_semaphore, #tpu.memory_space<semaphore_mem>> -> memref<!tpu.dma_semaphore, #tpu.memory_space<semaphore_mem>>
      tpu.enqueue_indirect_dma source(%dma_start3A_547 : memref<1000000x128xf32, #tpu.memory_space<hbm>>) target(%dma_start3A_541 : memref<128x128xf32, #tpu.memory_space<vmem>>) offsets(%dma_start3A_544 : memref<128xi32, #tpu.memory_space<vmem>>) semaphore(%dma_start3A_549 : memref<!tpu.dma_semaphore, #tpu.memory_space<semaphore_mem>>)
      %add3A_550 = arith.constant 3 : i32
      %add3A_551 = arith.addi %add3A_339, %add3A_550 : i32
      %dma_wait3A_552 = arith.constant 3 : i32
      %dma_wait3A_553 = arith.constant 3 : i32
      %dma_wait3A_554 = arith.constant 0 : i32
      %dma_wait3A_555 = arith.constant 0 : i32
      %dma_wait3A_556 = tpu.memref_slice %arg6[%dma_wait3A_552, %dma_wait3A_554, %dma_wait3A_555] : memref<5x128x128xf32, #tpu.memory_space<vmem>> -> memref<1x128x128xf32, #tpu.memory_space<vmem>>
      %dma_wait3A_557 = tpu.memref_squeeze %dma_wait3A_556 : memref<1x128x128xf32, #tpu.memory_space<vmem>> -> memref<128x128xf32, #tpu.memory_space<vmem>>
      %dma_wait3A_558 = arith.constant 0 : i32
      %dma_wait3A_559 = tpu.memref_slice %arg5[%add3A_551, %dma_wait3A_558] : memref<50x128xi32, #tpu.memory_space<vmem>> -> memref<1x128xi32, #tpu.memory_space<vmem>>
      %dma_wait3A_560 = tpu.memref_squeeze %dma_wait3A_559 : memref<1x128xi32, #tpu.memory_space<vmem>> -> memref<128xi32, #tpu.memory_space<vmem>>
      %dma_wait3A_561 = arith.constant 0 : i32
      %dma_wait3A_562 = arith.constant 0 : i32
      %dma_wait3A_563 = tpu.memref_slice %arg3[%dma_wait3A_561, %dma_wait3A_562] : memref<1000000x128xf32, #tpu.memory_space<hbm>> -> memref<1000000x128xf32, #tpu.memory_space<hbm>>
      %dma_wait3A_564 = tpu.memref_slice %arg7[%dma_wait3A_553] : memref<5x!tpu.dma_semaphore, #tpu.memory_space<semaphore_mem>> -> memref<1x!tpu.dma_semaphore, #tpu.memory_space<semaphore_mem>>
      %dma_wait3A_565 = tpu.memref_squeeze %dma_wait3A_564 : memref<1x!tpu.dma_semaphore, #tpu.memory_space<semaphore_mem>> -> memref<!tpu.dma_semaphore, #tpu.memory_space<semaphore_mem>>
      tpu.wait_indirect_dma semaphore(%dma_wait3A_565 : memref<!tpu.dma_semaphore, #tpu.memory_space<semaphore_mem>>) src(%dma_wait3A_563 : memref<1000000x128xf32, #tpu.memory_space<hbm>>) dst(%dma_wait3A_557 : memref<128x128xf32, #tpu.memory_space<vmem>>)
      %mul3A_566 = arith.constant 4096 : i32
      %mul3A_567 = arith.muli %add3A_551, %mul3A_566 : i32
      %add3A_568 = arith.addi %mul3A_567, %mul3A_2 : i32
      %dma_start3A_569 = arith.constant 3 : i32
      %dma_start3A_570 = arith.constant 3 : i32
      %dma_start3A_571 = arith.constant 0 : i32
      %dma_start3A_572 = arith.constant 0 : i32
      %dma_start3A_573 = tpu.memref_slice %arg6[%dma_start3A_569, %dma_start3A_571, %dma_start3A_572] : memref<5x128x128xf32, #tpu.memory_space<vmem>> -> memref<1x128x128xf32, #tpu.memory_space<vmem>>
      %dma_start3A_574 = tpu.memref_squeeze %dma_start3A_573 : memref<1x128x128xf32, #tpu.memory_space<vmem>> -> memref<128x128xf32, #tpu.memory_space<vmem>>
      %dma_start3A_575 = arith.constant 0 : i32
      %dma_start3A_576 = tpu.memref_slice %arg4[%add3A_568, %dma_start3A_575] : memref<204800x128xf32, #tpu.memory_space<hbm>> -> memref<128x128xf32, #tpu.memory_space<hbm>>
      %dma_start3A_577 = tpu.memref_slice %arg8[%dma_start3A_570] : memref<5x!tpu.dma_semaphore, #tpu.memory_space<semaphore_mem>> -> memref<1x!tpu.dma_semaphore, #tpu.memory_space<semaphore_mem>>
      %dma_start3A_578 = tpu.memref_squeeze %dma_start3A_577 : memref<1x!tpu.dma_semaphore, #tpu.memory_space<semaphore_mem>> -> memref<!tpu.dma_semaphore, #tpu.memory_space<semaphore_mem>>
      %dma_start3A_579 = arith.constant 0 : i32
      %dma_start3A_580 = tpu.memref_slice %arg4[%add3A_568, %dma_start3A_579] : memref<204800x128xf32, #tpu.memory_space<hbm>> -> memref<128x128xf32, #tpu.memory_space<hbm>>
      %dma_start3A_581 = arith.constant 0 : i32
      %dma_start3A_582 = arith.constant 0 : i32
      %dma_start3A_583 = tpu.memref_slice %arg6[%dma_start3A_569, %dma_start3A_581, %dma_start3A_582] : memref<5x128x128xf32, #tpu.memory_space<vmem>> -> memref<1x128x128xf32, #tpu.memory_space<vmem>>
      %dma_start3A_584 = tpu.memref_squeeze %dma_start3A_583 : memref<1x128x128xf32, #tpu.memory_space<vmem>> -> memref<128x128xf32, #tpu.memory_space<vmem>>
      tpu.enqueue_dma source(%dma_start3A_584 : memref<128x128xf32, #tpu.memory_space<vmem>>) target(%dma_start3A_580 : memref<128x128xf32, #tpu.memory_space<hbm>>) target_semaphore(%dma_start3A_578 : memref<!tpu.dma_semaphore, #tpu.memory_space<semaphore_mem>>)
      %mul3A_585 = arith.constant 4096 : i32
      %mul3A_586 = arith.muli %add3A_551, %mul3A_585 : i32
      %add3A_587 = arith.addi %mul3A_586, %mul3A_2 : i32
      %dma_wait3A_588 = arith.constant 3 : i32
      %dma_wait3A_589 = arith.constant 3 : i32
      %dma_wait3A_590 = arith.constant 0 : i32
      %dma_wait3A_591 = arith.constant 0 : i32
      %dma_wait3A_592 = tpu.memref_slice %arg6[%dma_wait3A_588, %dma_wait3A_590, %dma_wait3A_591] : memref<5x128x128xf32, #tpu.memory_space<vmem>> -> memref<1x128x128xf32, #tpu.memory_space<vmem>>
      %dma_wait3A_593 = tpu.memref_squeeze %dma_wait3A_592 : memref<1x128x128xf32, #tpu.memory_space<vmem>> -> memref<128x128xf32, #tpu.memory_space<vmem>>
      %dma_wait3A_594 = arith.constant 0 : i32
      %dma_wait3A_595 = tpu.memref_slice %arg4[%add3A_587, %dma_wait3A_594] : memref<204800x128xf32, #tpu.memory_space<hbm>> -> memref<128x128xf32, #tpu.memory_space<hbm>>
      %dma_wait3A_596 = tpu.memref_slice %arg8[%dma_wait3A_589] : memref<5x!tpu.dma_semaphore, #tpu.memory_space<semaphore_mem>> -> memref<1x!tpu.dma_semaphore, #tpu.memory_space<semaphore_mem>>
      %dma_wait3A_597 = tpu.memref_squeeze %dma_wait3A_596 : memref<1x!tpu.dma_semaphore, #tpu.memory_space<semaphore_mem>> -> memref<!tpu.dma_semaphore, #tpu.memory_space<semaphore_mem>>
      %dma_wait3A_598 = arith.constant 0 : i32
      %dma_wait3A_599 = tpu.memref_slice %arg4[%add3A_587, %dma_wait3A_598] : memref<204800x128xf32, #tpu.memory_space<hbm>> -> memref<128x128xf32, #tpu.memory_space<hbm>>
      %dma_wait3A_600 = arith.constant 0 : i32
      %dma_wait3A_601 = arith.constant 0 : i32
      %dma_wait3A_602 = tpu.memref_slice %arg6[%dma_wait3A_588, %dma_wait3A_600, %dma_wait3A_601] : memref<5x128x128xf32, #tpu.memory_space<vmem>> -> memref<1x128x128xf32, #tpu.memory_space<vmem>>
      %dma_wait3A_603 = tpu.memref_squeeze %dma_wait3A_602 : memref<1x128x128xf32, #tpu.memory_space<vmem>> -> memref<128x128xf32, #tpu.memory_space<vmem>>
      tpu.wait_dma2 semaphore(%dma_wait3A_597 : memref<!tpu.dma_semaphore, #tpu.memory_space<semaphore_mem>>) src(%dma_wait3A_603 : memref<128x128xf32, #tpu.memory_space<vmem>>) dst(%dma_wait3A_599 : memref<128x128xf32, #tpu.memory_space<hbm>>)
      %add3A_604 = arith.constant 5 : i32
      %add3A_605 = arith.addi %add3A_551, %add3A_604 : i32
      %dma_start3A_606 = arith.constant 3 : i32
      %dma_start3A_607 = arith.constant 3 : i32
      %dma_start3A_608 = arith.constant 0 : i32
      %dma_start3A_609 = arith.constant 0 : i32
      %dma_start3A_610 = tpu.memref_slice %arg6[%dma_start3A_606, %dma_start3A_608, %dma_start3A_609] : memref<5x128x128xf32, #tpu.memory_space<vmem>> -> memref<1x128x128xf32, #tpu.memory_space<vmem>>
      %dma_start3A_611 = tpu.memref_squeeze %dma_start3A_610 : memref<1x128x128xf32, #tpu.memory_space<vmem>> -> memref<128x128xf32, #tpu.memory_space<vmem>>
      %dma_start3A_612 = arith.constant 0 : i32
      %dma_start3A_613 = tpu.memref_slice %arg5[%add3A_605, %dma_start3A_612] : memref<50x128xi32, #tpu.memory_space<vmem>> -> memref<1x128xi32, #tpu.memory_space<vmem>>
      %dma_start3A_614 = tpu.memref_squeeze %dma_start3A_613 : memref<1x128xi32, #tpu.memory_space<vmem>> -> memref<128xi32, #tpu.memory_space<vmem>>
      %dma_start3A_615 = arith.constant 0 : i32
      %dma_start3A_616 = arith.constant 0 : i32
      %dma_start3A_617 = tpu.memref_slice %arg3[%dma_start3A_615, %dma_start3A_616] : memref<1000000x128xf32, #tpu.memory_space<hbm>> -> memref<1000000x128xf32, #tpu.memory_space<hbm>>
      %dma_start3A_618 = tpu.memref_slice %arg7[%dma_start3A_607] : memref<5x!tpu.dma_semaphore, #tpu.memory_space<semaphore_mem>> -> memref<1x!tpu.dma_semaphore, #tpu.memory_space<semaphore_mem>>
      %dma_start3A_619 = tpu.memref_squeeze %dma_start3A_618 : memref<1x!tpu.dma_semaphore, #tpu.memory_space<semaphore_mem>> -> memref<!tpu.dma_semaphore, #tpu.memory_space<semaphore_mem>>
      tpu.enqueue_indirect_dma source(%dma_start3A_617 : memref<1000000x128xf32, #tpu.memory_space<hbm>>) target(%dma_start3A_611 : memref<128x128xf32, #tpu.memory_space<vmem>>) offsets(%dma_start3A_614 : memref<128xi32, #tpu.memory_space<vmem>>) semaphore(%dma_start3A_619 : memref<!tpu.dma_semaphore, #tpu.memory_space<semaphore_mem>>)
      %add3A_620 = arith.constant 4 : i32
      %add3A_621 = arith.addi %add3A_339, %add3A_620 : i32
      %dma_wait3A_622 = arith.constant 4 : i32
      %dma_wait3A_623 = arith.constant 4 : i32
      %dma_wait3A_624 = arith.constant 0 : i32
      %dma_wait3A_625 = arith.constant 0 : i32
      %dma_wait3A_626 = tpu.memref_slice %arg6[%dma_wait3A_622, %dma_wait3A_624, %dma_wait3A_625] : memref<5x128x128xf32, #tpu.memory_space<vmem>> -> memref<1x128x128xf32, #tpu.memory_space<vmem>>
      %dma_wait3A_627 = tpu.memref_squeeze %dma_wait3A_626 : memref<1x128x128xf32, #tpu.memory_space<vmem>> -> memref<128x128xf32, #tpu.memory_space<vmem>>
      %dma_wait3A_628 = arith.constant 0 : i32
      %dma_wait3A_629 = tpu.memref_slice %arg5[%add3A_621, %dma_wait3A_628] : memref<50x128xi32, #tpu.memory_space<vmem>> -> memref<1x128xi32, #tpu.memory_space<vmem>>
      %dma_wait3A_630 = tpu.memref_squeeze %dma_wait3A_629 : memref<1x128xi32, #tpu.memory_space<vmem>> -> memref<128xi32, #tpu.memory_space<vmem>>
      %dma_wait3A_631 = arith.constant 0 : i32
      %dma_wait3A_632 = arith.constant 0 : i32
      %dma_wait3A_633 = tpu.memref_slice %arg3[%dma_wait3A_631, %dma_wait3A_632] : memref<1000000x128xf32, #tpu.memory_space<hbm>> -> memref<1000000x128xf32, #tpu.memory_space<hbm>>
      %dma_wait3A_634 = tpu.memref_slice %arg7[%dma_wait3A_623] : memref<5x!tpu.dma_semaphore, #tpu.memory_space<semaphore_mem>> -> memref<1x!tpu.dma_semaphore, #tpu.memory_space<semaphore_mem>>
      %dma_wait3A_635 = tpu.memref_squeeze %dma_wait3A_634 : memref<1x!tpu.dma_semaphore, #tpu.memory_space<semaphore_mem>> -> memref<!tpu.dma_semaphore, #tpu.memory_space<semaphore_mem>>
      tpu.wait_indirect_dma semaphore(%dma_wait3A_635 : memref<!tpu.dma_semaphore, #tpu.memory_space<semaphore_mem>>) src(%dma_wait3A_633 : memref<1000000x128xf32, #tpu.memory_space<hbm>>) dst(%dma_wait3A_627 : memref<128x128xf32, #tpu.memory_space<vmem>>)
      %mul3A_636 = arith.constant 4096 : i32
      %mul3A_637 = arith.muli %add3A_621, %mul3A_636 : i32
      %add3A_638 = arith.addi %mul3A_637, %mul3A_2 : i32
      %dma_start3A_639 = arith.constant 4 : i32
      %dma_start3A_640 = arith.constant 4 : i32
      %dma_start3A_641 = arith.constant 0 : i32
      %dma_start3A_642 = arith.constant 0 : i32
      %dma_start3A_643 = tpu.memref_slice %arg6[%dma_start3A_639, %dma_start3A_641, %dma_start3A_642] : memref<5x128x128xf32, #tpu.memory_space<vmem>> -> memref<1x128x128xf32, #tpu.memory_space<vmem>>
      %dma_start3A_644 = tpu.memref_squeeze %dma_start3A_643 : memref<1x128x128xf32, #tpu.memory_space<vmem>> -> memref<128x128xf32, #tpu.memory_space<vmem>>
      %dma_start3A_645 = arith.constant 0 : i32
      %dma_start3A_646 = tpu.memref_slice %arg4[%add3A_638, %dma_start3A_645] : memref<204800x128xf32, #tpu.memory_space<hbm>> -> memref<128x128xf32, #tpu.memory_space<hbm>>
      %dma_start3A_647 = tpu.memref_slice %arg8[%dma_start3A_640] : memref<5x!tpu.dma_semaphore, #tpu.memory_space<semaphore_mem>> -> memref<1x!tpu.dma_semaphore, #tpu.memory_space<semaphore_mem>>
      %dma_start3A_648 = tpu.memref_squeeze %dma_start3A_647 : memref<1x!tpu.dma_semaphore, #tpu.memory_space<semaphore_mem>> -> memref<!tpu.dma_semaphore, #tpu.memory_space<semaphore_mem>>
      %dma_start3A_649 = arith.constant 0 : i32
      %dma_start3A_650 = tpu.memref_slice %arg4[%add3A_638, %dma_start3A_649] : memref<204800x128xf32, #tpu.memory_space<hbm>> -> memref<128x128xf32, #tpu.memory_space<hbm>>
      %dma_start3A_651 = arith.constant 0 : i32
      %dma_start3A_652 = arith.constant 0 : i32
      %dma_start3A_653 = tpu.memref_slice %arg6[%dma_start3A_639, %dma_start3A_651, %dma_start3A_652] : memref<5x128x128xf32, #tpu.memory_space<vmem>> -> memref<1x128x128xf32, #tpu.memory_space<vmem>>
      %dma_start3A_654 = tpu.memref_squeeze %dma_start3A_653 : memref<1x128x128xf32, #tpu.memory_space<vmem>> -> memref<128x128xf32, #tpu.memory_space<vmem>>
      tpu.enqueue_dma source(%dma_start3A_654 : memref<128x128xf32, #tpu.memory_space<vmem>>) target(%dma_start3A_650 : memref<128x128xf32, #tpu.memory_space<hbm>>) target_semaphore(%dma_start3A_648 : memref<!tpu.dma_semaphore, #tpu.memory_space<semaphore_mem>>)
      %mul3A_655 = arith.constant 4096 : i32
      %mul3A_656 = arith.muli %add3A_621, %mul3A_655 : i32
      %add3A_657 = arith.addi %mul3A_656, %mul3A_2 : i32
      %dma_wait3A_658 = arith.constant 4 : i32
      %dma_wait3A_659 = arith.constant 4 : i32
      %dma_wait3A_660 = arith.constant 0 : i32
      %dma_wait3A_661 = arith.constant 0 : i32
      %dma_wait3A_662 = tpu.memref_slice %arg6[%dma_wait3A_658, %dma_wait3A_660, %dma_wait3A_661] : memref<5x128x128xf32, #tpu.memory_space<vmem>> -> memref<1x128x128xf32, #tpu.memory_space<vmem>>
      %dma_wait3A_663 = tpu.memref_squeeze %dma_wait3A_662 : memref<1x128x128xf32, #tpu.memory_space<vmem>> -> memref<128x128xf32, #tpu.memory_space<vmem>>
      %dma_wait3A_664 = arith.constant 0 : i32
      %dma_wait3A_665 = tpu.memref_slice %arg4[%add3A_657, %dma_wait3A_664] : memref<204800x128xf32, #tpu.memory_space<hbm>> -> memref<128x128xf32, #tpu.memory_space<hbm>>
      %dma_wait3A_666 = tpu.memref_slice %arg8[%dma_wait3A_659] : memref<5x!tpu.dma_semaphore, #tpu.memory_space<semaphore_mem>> -> memref<1x!tpu.dma_semaphore, #tpu.memory_space<semaphore_mem>>
      %dma_wait3A_667 = tpu.memref_squeeze %dma_wait3A_666 : memref<1x!tpu.dma_semaphore, #tpu.memory_space<semaphore_mem>> -> memref<!tpu.dma_semaphore, #tpu.memory_space<semaphore_mem>>
      %dma_wait3A_668 = arith.constant 0 : i32
      %dma_wait3A_669 = tpu.memref_slice %arg4[%add3A_657, %dma_wait3A_668] : memref<204800x128xf32, #tpu.memory_space<hbm>> -> memref<128x128xf32, #tpu.memory_space<hbm>>
      %dma_wait3A_670 = arith.constant 0 : i32
      %dma_wait3A_671 = arith.constant 0 : i32
      %dma_wait3A_672 = tpu.memref_slice %arg6[%dma_wait3A_658, %dma_wait3A_670, %dma_wait3A_671] : memref<5x128x128xf32, #tpu.memory_space<vmem>> -> memref<1x128x128xf32, #tpu.memory_space<vmem>>
      %dma_wait3A_673 = tpu.memref_squeeze %dma_wait3A_672 : memref<1x128x128xf32, #tpu.memory_space<vmem>> -> memref<128x128xf32, #tpu.memory_space<vmem>>
      tpu.wait_dma2 semaphore(%dma_wait3A_667 : memref<!tpu.dma_semaphore, #tpu.memory_space<semaphore_mem>>) src(%dma_wait3A_673 : memref<128x128xf32, #tpu.memory_space<vmem>>) dst(%dma_wait3A_669 : memref<128x128xf32, #tpu.memory_space<hbm>>)
      %add3A_674 = arith.constant 5 : i32
      %add3A_675 = arith.addi %add3A_621, %add3A_674 : i32
      %dma_start3A_676 = arith.constant 4 : i32
      %dma_start3A_677 = arith.constant 4 : i32
      %dma_start3A_678 = arith.constant 0 : i32
      %dma_start3A_679 = arith.constant 0 : i32
      %dma_start3A_680 = tpu.memref_slice %arg6[%dma_start3A_676, %dma_start3A_678, %dma_start3A_679] : memref<5x128x128xf32, #tpu.memory_space<vmem>> -> memref<1x128x128xf32, #tpu.memory_space<vmem>>
      %dma_start3A_681 = tpu.memref_squeeze %dma_start3A_680 : memref<1x128x128xf32, #tpu.memory_space<vmem>> -> memref<128x128xf32, #tpu.memory_space<vmem>>
      %dma_start3A_682 = arith.constant 0 : i32
      %dma_start3A_683 = tpu.memref_slice %arg5[%add3A_675, %dma_start3A_682] : memref<50x128xi32, #tpu.memory_space<vmem>> -> memref<1x128xi32, #tpu.memory_space<vmem>>
      %dma_start3A_684 = tpu.memref_squeeze %dma_start3A_683 : memref<1x128xi32, #tpu.memory_space<vmem>> -> memref<128xi32, #tpu.memory_space<vmem>>
      %dma_start3A_685 = arith.constant 0 : i32
      %dma_start3A_686 = arith.constant 0 : i32
      %dma_start3A_687 = tpu.memref_slice %arg3[%dma_start3A_685, %dma_start3A_686] : memref<1000000x128xf32, #tpu.memory_space<hbm>> -> memref<1000000x128xf32, #tpu.memory_space<hbm>>
      %dma_start3A_688 = tpu.memref_slice %arg7[%dma_start3A_677] : memref<5x!tpu.dma_semaphore, #tpu.memory_space<semaphore_mem>> -> memref<1x!tpu.dma_semaphore, #tpu.memory_space<semaphore_mem>>
      %dma_start3A_689 = tpu.memref_squeeze %dma_start3A_688 : memref<1x!tpu.dma_semaphore, #tpu.memory_space<semaphore_mem>> -> memref<!tpu.dma_semaphore, #tpu.memory_space<semaphore_mem>>
      tpu.enqueue_indirect_dma source(%dma_start3A_687 : memref<1000000x128xf32, #tpu.memory_space<hbm>>) target(%dma_start3A_681 : memref<128x128xf32, #tpu.memory_space<vmem>>) offsets(%dma_start3A_684 : memref<128xi32, #tpu.memory_space<vmem>>) semaphore(%dma_start3A_689 : memref<!tpu.dma_semaphore, #tpu.memory_space<semaphore_mem>>)
    }
    %scan3A_80 = arith.constant 9 : i32
    %dma_wait3A = arith.constant 45 : i32
    %dma_wait3A_81 = arith.constant 0 : i32
    %dma_wait3A_82 = arith.constant 0 : i32
    %dma_wait3A_83 = arith.constant 0 : i32
    %dma_wait3A_84 = arith.constant 0 : i32
    %dma_wait3A_85 = tpu.memref_slice %arg6[%dma_wait3A_81, %dma_wait3A_83, %dma_wait3A_84] : memref<5x128x128xf32, #tpu.memory_space<vmem>> -> memref<1x128x128xf32, #tpu.memory_space<vmem>>
    %dma_wait3A_86 = tpu.memref_squeeze %dma_wait3A_85 : memref<1x128x128xf32, #tpu.memory_space<vmem>> -> memref<128x128xf32, #tpu.memory_space<vmem>>
    %dma_wait3A_87 = arith.constant 0 : i32
    %dma_wait3A_88 = tpu.memref_slice %arg5[%dma_wait3A, %dma_wait3A_87] : memref<50x128xi32, #tpu.memory_space<vmem>> -> memref<1x128xi32, #tpu.memory_space<vmem>>
    %dma_wait3A_89 = tpu.memref_squeeze %dma_wait3A_88 : memref<1x128xi32, #tpu.memory_space<vmem>> -> memref<128xi32, #tpu.memory_space<vmem>>
    %dma_wait3A_90 = arith.constant 0 : i32
    %dma_wait3A_91 = arith.constant 0 : i32
    %dma_wait3A_92 = tpu.memref_slice %arg3[%dma_wait3A_90, %dma_wait3A_91] : memref<1000000x128xf32, #tpu.memory_space<hbm>> -> memref<1000000x128xf32, #tpu.memory_space<hbm>>
    %dma_wait3A_93 = tpu.memref_slice %arg7[%dma_wait3A_82] : memref<5x!tpu.dma_semaphore, #tpu.memory_space<semaphore_mem>> -> memref<1x!tpu.dma_semaphore, #tpu.memory_space<semaphore_mem>>
    %dma_wait3A_94 = tpu.memref_squeeze %dma_wait3A_93 : memref<1x!tpu.dma_semaphore, #tpu.memory_space<semaphore_mem>> -> memref<!tpu.dma_semaphore, #tpu.memory_space<semaphore_mem>>
    tpu.wait_indirect_dma semaphore(%dma_wait3A_94 : memref<!tpu.dma_semaphore, #tpu.memory_space<semaphore_mem>>) src(%dma_wait3A_92 : memref<1000000x128xf32, #tpu.memory_space<hbm>>) dst(%dma_wait3A_86 : memref<128x128xf32, #tpu.memory_space<vmem>>)
    %add3A_95 = arith.constant 184320 : i32
    %add3A_96 = arith.addi %add3A_95, %mul3A_2 : i32
    %dma_start3A_97 = arith.constant 0 : i32
    %dma_start3A_98 = arith.constant 0 : i32
    %dma_start3A_99 = arith.constant 0 : i32
    %dma_start3A_100 = arith.constant 0 : i32
    %dma_start3A_101 = tpu.memref_slice %arg6[%dma_start3A_97, %dma_start3A_99, %dma_start3A_100] : memref<5x128x128xf32, #tpu.memory_space<vmem>> -> memref<1x128x128xf32, #tpu.memory_space<vmem>>
    %dma_start3A_102 = tpu.memref_squeeze %dma_start3A_101 : memref<1x128x128xf32, #tpu.memory_space<vmem>> -> memref<128x128xf32, #tpu.memory_space<vmem>>
    %dma_start3A_103 = arith.constant 0 : i32
    %dma_start3A_104 = tpu.memref_slice %arg4[%add3A_96, %dma_start3A_103] : memref<204800x128xf32, #tpu.memory_space<hbm>> -> memref<128x128xf32, #tpu.memory_space<hbm>>
    %dma_start3A_105 = tpu.memref_slice %arg8[%dma_start3A_98] : memref<5x!tpu.dma_semaphore, #tpu.memory_space<semaphore_mem>> -> memref<1x!tpu.dma_semaphore, #tpu.memory_space<semaphore_mem>>
    %dma_start3A_106 = tpu.memref_squeeze %dma_start3A_105 : memref<1x!tpu.dma_semaphore, #tpu.memory_space<semaphore_mem>> -> memref<!tpu.dma_semaphore, #tpu.memory_space<semaphore_mem>>
    %dma_start3A_107 = arith.constant 0 : i32
    %dma_start3A_108 = tpu.memref_slice %arg4[%add3A_96, %dma_start3A_107] : memref<204800x128xf32, #tpu.memory_space<hbm>> -> memref<128x128xf32, #tpu.memory_space<hbm>>
    %dma_start3A_109 = arith.constant 0 : i32
    %dma_start3A_110 = arith.constant 0 : i32
    %dma_start3A_111 = tpu.memref_slice %arg6[%dma_start3A_97, %dma_start3A_109, %dma_start3A_110] : memref<5x128x128xf32, #tpu.memory_space<vmem>> -> memref<1x128x128xf32, #tpu.memory_space<vmem>>
    %dma_start3A_112 = tpu.memref_squeeze %dma_start3A_111 : memref<1x128x128xf32, #tpu.memory_space<vmem>> -> memref<128x128xf32, #tpu.memory_space<vmem>>
    tpu.enqueue_dma source(%dma_start3A_112 : memref<128x128xf32, #tpu.memory_space<vmem>>) target(%dma_start3A_108 : memref<128x128xf32, #tpu.memory_space<hbm>>) target_semaphore(%dma_start3A_106 : memref<!tpu.dma_semaphore, #tpu.memory_space<semaphore_mem>>)
    %dma_wait3A_113 = arith.constant 46 : i32
    %dma_wait3A_114 = arith.constant 1 : i32
    %dma_wait3A_115 = arith.constant 1 : i32
    %dma_wait3A_116 = arith.constant 0 : i32
    %dma_wait3A_117 = arith.constant 0 : i32
    %dma_wait3A_118 = tpu.memref_slice %arg6[%dma_wait3A_114, %dma_wait3A_116, %dma_wait3A_117] : memref<5x128x128xf32, #tpu.memory_space<vmem>> -> memref<1x128x128xf32, #tpu.memory_space<vmem>>
    %dma_wait3A_119 = tpu.memref_squeeze %dma_wait3A_118 : memref<1x128x128xf32, #tpu.memory_space<vmem>> -> memref<128x128xf32, #tpu.memory_space<vmem>>
    %dma_wait3A_120 = arith.constant 0 : i32
    %dma_wait3A_121 = tpu.memref_slice %arg5[%dma_wait3A_113, %dma_wait3A_120] : memref<50x128xi32, #tpu.memory_space<vmem>> -> memref<1x128xi32, #tpu.memory_space<vmem>>
    %dma_wait3A_122 = tpu.memref_squeeze %dma_wait3A_121 : memref<1x128xi32, #tpu.memory_space<vmem>> -> memref<128xi32, #tpu.memory_space<vmem>>
    %dma_wait3A_123 = arith.constant 0 : i32
    %dma_wait3A_124 = arith.constant 0 : i32
    %dma_wait3A_125 = tpu.memref_slice %arg3[%dma_wait3A_123, %dma_wait3A_124] : memref<1000000x128xf32, #tpu.memory_space<hbm>> -> memref<1000000x128xf32, #tpu.memory_space<hbm>>
    %dma_wait3A_126 = tpu.memref_slice %arg7[%dma_wait3A_115] : memref<5x!tpu.dma_semaphore, #tpu.memory_space<semaphore_mem>> -> memref<1x!tpu.dma_semaphore, #tpu.memory_space<semaphore_mem>>
    %dma_wait3A_127 = tpu.memref_squeeze %dma_wait3A_126 : memref<1x!tpu.dma_semaphore, #tpu.memory_space<semaphore_mem>> -> memref<!tpu.dma_semaphore, #tpu.memory_space<semaphore_mem>>
    tpu.wait_indirect_dma semaphore(%dma_wait3A_127 : memref<!tpu.dma_semaphore, #tpu.memory_space<semaphore_mem>>) src(%dma_wait3A_125 : memref<1000000x128xf32, #tpu.memory_space<hbm>>) dst(%dma_wait3A_119 : memref<128x128xf32, #tpu.memory_space<vmem>>)
    %add3A_128 = arith.constant 188416 : i32
    %add3A_129 = arith.addi %add3A_128, %mul3A_2 : i32
    %dma_start3A_130 = arith.constant 1 : i32
    %dma_start3A_131 = arith.constant 1 : i32
    %dma_start3A_132 = arith.constant 0 : i32
    %dma_start3A_133 = arith.constant 0 : i32
    %dma_start3A_134 = tpu.memref_slice %arg6[%dma_start3A_130, %dma_start3A_132, %dma_start3A_133] : memref<5x128x128xf32, #tpu.memory_space<vmem>> -> memref<1x128x128xf32, #tpu.memory_space<vmem>>
    %dma_start3A_135 = tpu.memref_squeeze %dma_start3A_134 : memref<1x128x128xf32, #tpu.memory_space<vmem>> -> memref<128x128xf32, #tpu.memory_space<vmem>>
    %dma_start3A_136 = arith.constant 0 : i32
    %dma_start3A_137 = tpu.memref_slice %arg4[%add3A_129, %dma_start3A_136] : memref<204800x128xf32, #tpu.memory_space<hbm>> -> memref<128x128xf32, #tpu.memory_space<hbm>>
    %dma_start3A_138 = tpu.memref_slice %arg8[%dma_start3A_131] : memref<5x!tpu.dma_semaphore, #tpu.memory_space<semaphore_mem>> -> memref<1x!tpu.dma_semaphore, #tpu.memory_space<semaphore_mem>>
    %dma_start3A_139 = tpu.memref_squeeze %dma_start3A_138 : memref<1x!tpu.dma_semaphore, #tpu.memory_space<semaphore_mem>> -> memref<!tpu.dma_semaphore, #tpu.memory_space<semaphore_mem>>
    %dma_start3A_140 = arith.constant 0 : i32
    %dma_start3A_141 = tpu.memref_slice %arg4[%add3A_129, %dma_start3A_140] : memref<204800x128xf32, #tpu.memory_space<hbm>> -> memref<128x128xf32, #tpu.memory_space<hbm>>
    %dma_start3A_142 = arith.constant 0 : i32
    %dma_start3A_143 = arith.constant 0 : i32
    %dma_start3A_144 = tpu.memref_slice %arg6[%dma_start3A_130, %dma_start3A_142, %dma_start3A_143] : memref<5x128x128xf32, #tpu.memory_space<vmem>> -> memref<1x128x128xf32, #tpu.memory_space<vmem>>
    %dma_start3A_145 = tpu.memref_squeeze %dma_start3A_144 : memref<1x128x128xf32, #tpu.memory_space<vmem>> -> memref<128x128xf32, #tpu.memory_space<vmem>>
    tpu.enqueue_dma source(%dma_start3A_145 : memref<128x128xf32, #tpu.memory_space<vmem>>) target(%dma_start3A_141 : memref<128x128xf32, #tpu.memory_space<hbm>>) target_semaphore(%dma_start3A_139 : memref<!tpu.dma_semaphore, #tpu.memory_space<semaphore_mem>>)
    %dma_wait3A_146 = arith.constant 47 : i32
    %dma_wait3A_147 = arith.constant 2 : i32
    %dma_wait3A_148 = arith.constant 2 : i32
    %dma_wait3A_149 = arith.constant 0 : i32
    %dma_wait3A_150 = arith.constant 0 : i32
    %dma_wait3A_151 = tpu.memref_slice %arg6[%dma_wait3A_147, %dma_wait3A_149, %dma_wait3A_150] : memref<5x128x128xf32, #tpu.memory_space<vmem>> -> memref<1x128x128xf32, #tpu.memory_space<vmem>>
    %dma_wait3A_152 = tpu.memref_squeeze %dma_wait3A_151 : memref<1x128x128xf32, #tpu.memory_space<vmem>> -> memref<128x128xf32, #tpu.memory_space<vmem>>
    %dma_wait3A_153 = arith.constant 0 : i32
    %dma_wait3A_154 = tpu.memref_slice %arg5[%dma_wait3A_146, %dma_wait3A_153] : memref<50x128xi32, #tpu.memory_space<vmem>> -> memref<1x128xi32, #tpu.memory_space<vmem>>
    %dma_wait3A_155 = tpu.memref_squeeze %dma_wait3A_154 : memref<1x128xi32, #tpu.memory_space<vmem>> -> memref<128xi32, #tpu.memory_space<vmem>>
    %dma_wait3A_156 = arith.constant 0 : i32
    %dma_wait3A_157 = arith.constant 0 : i32
    %dma_wait3A_158 = tpu.memref_slice %arg3[%dma_wait3A_156, %dma_wait3A_157] : memref<1000000x128xf32, #tpu.memory_space<hbm>> -> memref<1000000x128xf32, #tpu.memory_space<hbm>>
    %dma_wait3A_159 = tpu.memref_slice %arg7[%dma_wait3A_148] : memref<5x!tpu.dma_semaphore, #tpu.memory_space<semaphore_mem>> -> memref<1x!tpu.dma_semaphore, #tpu.memory_space<semaphore_mem>>
    %dma_wait3A_160 = tpu.memref_squeeze %dma_wait3A_159 : memref<1x!tpu.dma_semaphore, #tpu.memory_space<semaphore_mem>> -> memref<!tpu.dma_semaphore, #tpu.memory_space<semaphore_mem>>
    tpu.wait_indirect_dma semaphore(%dma_wait3A_160 : memref<!tpu.dma_semaphore, #tpu.memory_space<semaphore_mem>>) src(%dma_wait3A_158 : memref<1000000x128xf32, #tpu.memory_space<hbm>>) dst(%dma_wait3A_152 : memref<128x128xf32, #tpu.memory_space<vmem>>)
    %add3A_161 = arith.constant 192512 : i32
    %add3A_162 = arith.addi %add3A_161, %mul3A_2 : i32
    %dma_start3A_163 = arith.constant 2 : i32
    %dma_start3A_164 = arith.constant 2 : i32
    %dma_start3A_165 = arith.constant 0 : i32
    %dma_start3A_166 = arith.constant 0 : i32
    %dma_start3A_167 = tpu.memref_slice %arg6[%dma_start3A_163, %dma_start3A_165, %dma_start3A_166] : memref<5x128x128xf32, #tpu.memory_space<vmem>> -> memref<1x128x128xf32, #tpu.memory_space<vmem>>
    %dma_start3A_168 = tpu.memref_squeeze %dma_start3A_167 : memref<1x128x128xf32, #tpu.memory_space<vmem>> -> memref<128x128xf32, #tpu.memory_space<vmem>>
    %dma_start3A_169 = arith.constant 0 : i32
    %dma_start3A_170 = tpu.memref_slice %arg4[%add3A_162, %dma_start3A_169] : memref<204800x128xf32, #tpu.memory_space<hbm>> -> memref<128x128xf32, #tpu.memory_space<hbm>>
    %dma_start3A_171 = tpu.memref_slice %arg8[%dma_start3A_164] : memref<5x!tpu.dma_semaphore, #tpu.memory_space<semaphore_mem>> -> memref<1x!tpu.dma_semaphore, #tpu.memory_space<semaphore_mem>>
    %dma_start3A_172 = tpu.memref_squeeze %dma_start3A_171 : memref<1x!tpu.dma_semaphore, #tpu.memory_space<semaphore_mem>> -> memref<!tpu.dma_semaphore, #tpu.memory_space<semaphore_mem>>
    %dma_start3A_173 = arith.constant 0 : i32
    %dma_start3A_174 = tpu.memref_slice %arg4[%add3A_162, %dma_start3A_173] : memref<204800x128xf32, #tpu.memory_space<hbm>> -> memref<128x128xf32, #tpu.memory_space<hbm>>
    %dma_start3A_175 = arith.constant 0 : i32
    %dma_start3A_176 = arith.constant 0 : i32
    %dma_start3A_177 = tpu.memref_slice %arg6[%dma_start3A_163, %dma_start3A_175, %dma_start3A_176] : memref<5x128x128xf32, #tpu.memory_space<vmem>> -> memref<1x128x128xf32, #tpu.memory_space<vmem>>
    %dma_start3A_178 = tpu.memref_squeeze %dma_start3A_177 : memref<1x128x128xf32, #tpu.memory_space<vmem>> -> memref<128x128xf32, #tpu.memory_space<vmem>>
    tpu.enqueue_dma source(%dma_start3A_178 : memref<128x128xf32, #tpu.memory_space<vmem>>) target(%dma_start3A_174 : memref<128x128xf32, #tpu.memory_space<hbm>>) target_semaphore(%dma_start3A_172 : memref<!tpu.dma_semaphore, #tpu.memory_space<semaphore_mem>>)
    %dma_wait3A_179 = arith.constant 48 : i32
    %dma_wait3A_180 = arith.constant 3 : i32
    %dma_wait3A_181 = arith.constant 3 : i32
    %dma_wait3A_182 = arith.constant 0 : i32
    %dma_wait3A_183 = arith.constant 0 : i32
    %dma_wait3A_184 = tpu.memref_slice %arg6[%dma_wait3A_180, %dma_wait3A_182, %dma_wait3A_183] : memref<5x128x128xf32, #tpu.memory_space<vmem>> -> memref<1x128x128xf32, #tpu.memory_space<vmem>>
    %dma_wait3A_185 = tpu.memref_squeeze %dma_wait3A_184 : memref<1x128x128xf32, #tpu.memory_space<vmem>> -> memref<128x128xf32, #tpu.memory_space<vmem>>
    %dma_wait3A_186 = arith.constant 0 : i32
    %dma_wait3A_187 = tpu.memref_slice %arg5[%dma_wait3A_179, %dma_wait3A_186] : memref<50x128xi32, #tpu.memory_space<vmem>> -> memref<1x128xi32, #tpu.memory_space<vmem>>
    %dma_wait3A_188 = tpu.memref_squeeze %dma_wait3A_187 : memref<1x128xi32, #tpu.memory_space<vmem>> -> memref<128xi32, #tpu.memory_space<vmem>>
    %dma_wait3A_189 = arith.constant 0 : i32
    %dma_wait3A_190 = arith.constant 0 : i32
    %dma_wait3A_191 = tpu.memref_slice %arg3[%dma_wait3A_189, %dma_wait3A_190] : memref<1000000x128xf32, #tpu.memory_space<hbm>> -> memref<1000000x128xf32, #tpu.memory_space<hbm>>
    %dma_wait3A_192 = tpu.memref_slice %arg7[%dma_wait3A_181] : memref<5x!tpu.dma_semaphore, #tpu.memory_space<semaphore_mem>> -> memref<1x!tpu.dma_semaphore, #tpu.memory_space<semaphore_mem>>
    %dma_wait3A_193 = tpu.memref_squeeze %dma_wait3A_192 : memref<1x!tpu.dma_semaphore, #tpu.memory_space<semaphore_mem>> -> memref<!tpu.dma_semaphore, #tpu.memory_space<semaphore_mem>>
    tpu.wait_indirect_dma semaphore(%dma_wait3A_193 : memref<!tpu.dma_semaphore, #tpu.memory_space<semaphore_mem>>) src(%dma_wait3A_191 : memref<1000000x128xf32, #tpu.memory_space<hbm>>) dst(%dma_wait3A_185 : memref<128x128xf32, #tpu.memory_space<vmem>>)
    %add3A_194 = arith.constant 196608 : i32
    %add3A_195 = arith.addi %add3A_194, %mul3A_2 : i32
    %dma_start3A_196 = arith.constant 3 : i32
    %dma_start3A_197 = arith.constant 3 : i32
    %dma_start3A_198 = arith.constant 0 : i32
    %dma_start3A_199 = arith.constant 0 : i32
    %dma_start3A_200 = tpu.memref_slice %arg6[%dma_start3A_196, %dma_start3A_198, %dma_start3A_199] : memref<5x128x128xf32, #tpu.memory_space<vmem>> -> memref<1x128x128xf32, #tpu.memory_space<vmem>>
    %dma_start3A_201 = tpu.memref_squeeze %dma_start3A_200 : memref<1x128x128xf32, #tpu.memory_space<vmem>> -> memref<128x128xf32, #tpu.memory_space<vmem>>
    %dma_start3A_202 = arith.constant 0 : i32
    %dma_start3A_203 = tpu.memref_slice %arg4[%add3A_195, %dma_start3A_202] : memref<204800x128xf32, #tpu.memory_space<hbm>> -> memref<128x128xf32, #tpu.memory_space<hbm>>
    %dma_start3A_204 = tpu.memref_slice %arg8[%dma_start3A_197] : memref<5x!tpu.dma_semaphore, #tpu.memory_space<semaphore_mem>> -> memref<1x!tpu.dma_semaphore, #tpu.memory_space<semaphore_mem>>
    %dma_start3A_205 = tpu.memref_squeeze %dma_start3A_204 : memref<1x!tpu.dma_semaphore, #tpu.memory_space<semaphore_mem>> -> memref<!tpu.dma_semaphore, #tpu.memory_space<semaphore_mem>>
    %dma_start3A_206 = arith.constant 0 : i32
    %dma_start3A_207 = tpu.memref_slice %arg4[%add3A_195, %dma_start3A_206] : memref<204800x128xf32, #tpu.memory_space<hbm>> -> memref<128x128xf32, #tpu.memory_space<hbm>>
    %dma_start3A_208 = arith.constant 0 : i32
    %dma_start3A_209 = arith.constant 0 : i32
    %dma_start3A_210 = tpu.memref_slice %arg6[%dma_start3A_196, %dma_start3A_208, %dma_start3A_209] : memref<5x128x128xf32, #tpu.memory_space<vmem>> -> memref<1x128x128xf32, #tpu.memory_space<vmem>>
    %dma_start3A_211 = tpu.memref_squeeze %dma_start3A_210 : memref<1x128x128xf32, #tpu.memory_space<vmem>> -> memref<128x128xf32, #tpu.memory_space<vmem>>
    tpu.enqueue_dma source(%dma_start3A_211 : memref<128x128xf32, #tpu.memory_space<vmem>>) target(%dma_start3A_207 : memref<128x128xf32, #tpu.memory_space<hbm>>) target_semaphore(%dma_start3A_205 : memref<!tpu.dma_semaphore, #tpu.memory_space<semaphore_mem>>)
    %dma_wait3A_212 = arith.constant 49 : i32
    %dma_wait3A_213 = arith.constant 4 : i32
    %dma_wait3A_214 = arith.constant 4 : i32
    %dma_wait3A_215 = arith.constant 0 : i32
    %dma_wait3A_216 = arith.constant 0 : i32
    %dma_wait3A_217 = tpu.memref_slice %arg6[%dma_wait3A_213, %dma_wait3A_215, %dma_wait3A_216] : memref<5x128x128xf32, #tpu.memory_space<vmem>> -> memref<1x128x128xf32, #tpu.memory_space<vmem>>
    %dma_wait3A_218 = tpu.memref_squeeze %dma_wait3A_217 : memref<1x128x128xf32, #tpu.memory_space<vmem>> -> memref<128x128xf32, #tpu.memory_space<vmem>>
    %dma_wait3A_219 = arith.constant 0 : i32
    %dma_wait3A_220 = tpu.memref_slice %arg5[%dma_wait3A_212, %dma_wait3A_219] : memref<50x128xi32, #tpu.memory_space<vmem>> -> memref<1x128xi32, #tpu.memory_space<vmem>>
    %dma_wait3A_221 = tpu.memref_squeeze %dma_wait3A_220 : memref<1x128xi32, #tpu.memory_space<vmem>> -> memref<128xi32, #tpu.memory_space<vmem>>
    %dma_wait3A_222 = arith.constant 0 : i32
    %dma_wait3A_223 = arith.constant 0 : i32
    %dma_wait3A_224 = tpu.memref_slice %arg3[%dma_wait3A_222, %dma_wait3A_223] : memref<1000000x128xf32, #tpu.memory_space<hbm>> -> memref<1000000x128xf32, #tpu.memory_space<hbm>>
    %dma_wait3A_225 = tpu.memref_slice %arg7[%dma_wait3A_214] : memref<5x!tpu.dma_semaphore, #tpu.memory_space<semaphore_mem>> -> memref<1x!tpu.dma_semaphore, #tpu.memory_space<semaphore_mem>>
    %dma_wait3A_226 = tpu.memref_squeeze %dma_wait3A_225 : memref<1x!tpu.dma_semaphore, #tpu.memory_space<semaphore_mem>> -> memref<!tpu.dma_semaphore, #tpu.memory_space<semaphore_mem>>
    tpu.wait_indirect_dma semaphore(%dma_wait3A_226 : memref<!tpu.dma_semaphore, #tpu.memory_space<semaphore_mem>>) src(%dma_wait3A_224 : memref<1000000x128xf32, #tpu.memory_space<hbm>>) dst(%dma_wait3A_218 : memref<128x128xf32, #tpu.memory_space<vmem>>)
    %add3A_227 = arith.constant 200704 : i32
    %add3A_228 = arith.addi %add3A_227, %mul3A_2 : i32
    %dma_start3A_229 = arith.constant 4 : i32
    %dma_start3A_230 = arith.constant 4 : i32
    %dma_start3A_231 = arith.constant 0 : i32
    %dma_start3A_232 = arith.constant 0 : i32
    %dma_start3A_233 = tpu.memref_slice %arg6[%dma_start3A_229, %dma_start3A_231, %dma_start3A_232] : memref<5x128x128xf32, #tpu.memory_space<vmem>> -> memref<1x128x128xf32, #tpu.memory_space<vmem>>
    %dma_start3A_234 = tpu.memref_squeeze %dma_start3A_233 : memref<1x128x128xf32, #tpu.memory_space<vmem>> -> memref<128x128xf32, #tpu.memory_space<vmem>>
    %dma_start3A_235 = arith.constant 0 : i32
    %dma_start3A_236 = tpu.memref_slice %arg4[%add3A_228, %dma_start3A_235] : memref<204800x128xf32, #tpu.memory_space<hbm>> -> memref<128x128xf32, #tpu.memory_space<hbm>>
    %dma_start3A_237 = tpu.memref_slice %arg8[%dma_start3A_230] : memref<5x!tpu.dma_semaphore, #tpu.memory_space<semaphore_mem>> -> memref<1x!tpu.dma_semaphore, #tpu.memory_space<semaphore_mem>>
    %dma_start3A_238 = tpu.memref_squeeze %dma_start3A_237 : memref<1x!tpu.dma_semaphore, #tpu.memory_space<semaphore_mem>> -> memref<!tpu.dma_semaphore, #tpu.memory_space<semaphore_mem>>
    %dma_start3A_239 = arith.constant 0 : i32
    %dma_start3A_240 = tpu.memref_slice %arg4[%add3A_228, %dma_start3A_239] : memref<204800x128xf32, #tpu.memory_space<hbm>> -> memref<128x128xf32, #tpu.memory_space<hbm>>
    %dma_start3A_241 = arith.constant 0 : i32
    %dma_start3A_242 = arith.constant 0 : i32
    %dma_start3A_243 = tpu.memref_slice %arg6[%dma_start3A_229, %dma_start3A_241, %dma_start3A_242] : memref<5x128x128xf32, #tpu.memory_space<vmem>> -> memref<1x128x128xf32, #tpu.memory_space<vmem>>
    %dma_start3A_244 = tpu.memref_squeeze %dma_start3A_243 : memref<1x128x128xf32, #tpu.memory_space<vmem>> -> memref<128x128xf32, #tpu.memory_space<vmem>>
    tpu.enqueue_dma source(%dma_start3A_244 : memref<128x128xf32, #tpu.memory_space<vmem>>) target(%dma_start3A_240 : memref<128x128xf32, #tpu.memory_space<hbm>>) target_semaphore(%dma_start3A_238 : memref<!tpu.dma_semaphore, #tpu.memory_space<semaphore_mem>>)
    %add3A_245 = arith.constant 184320 : i32
    %add3A_246 = arith.addi %add3A_245, %mul3A_2 : i32
    %dma_wait3A_247 = arith.constant 0 : i32
    %dma_wait3A_248 = arith.constant 0 : i32
    %dma_wait3A_249 = arith.constant 0 : i32
    %dma_wait3A_250 = arith.constant 0 : i32
    %dma_wait3A_251 = tpu.memref_slice %arg6[%dma_wait3A_247, %dma_wait3A_249, %dma_wait3A_250] : memref<5x128x128xf32, #tpu.memory_space<vmem>> -> memref<1x128x128xf32, #tpu.memory_space<vmem>>
    %dma_wait3A_252 = tpu.memref_squeeze %dma_wait3A_251 : memref<1x128x128xf32, #tpu.memory_space<vmem>> -> memref<128x128xf32, #tpu.memory_space<vmem>>
    %dma_wait3A_253 = arith.constant 0 : i32
    %dma_wait3A_254 = tpu.memref_slice %arg4[%add3A_246, %dma_wait3A_253] : memref<204800x128xf32, #tpu.memory_space<hbm>> -> memref<128x128xf32, #tpu.memory_space<hbm>>
    %dma_wait3A_255 = tpu.memref_slice %arg8[%dma_wait3A_248] : memref<5x!tpu.dma_semaphore, #tpu.memory_space<semaphore_mem>> -> memref<1x!tpu.dma_semaphore, #tpu.memory_space<semaphore_mem>>
    %dma_wait3A_256 = tpu.memref_squeeze %dma_wait3A_255 : memref<1x!tpu.dma_semaphore, #tpu.memory_space<semaphore_mem>> -> memref<!tpu.dma_semaphore, #tpu.memory_space<semaphore_mem>>
    %dma_wait3A_257 = arith.constant 0 : i32
    %dma_wait3A_258 = tpu.memref_slice %arg4[%add3A_246, %dma_wait3A_257] : memref<204800x128xf32, #tpu.memory_space<hbm>> -> memref<128x128xf32, #tpu.memory_space<hbm>>
    %dma_wait3A_259 = arith.constant 0 : i32
    %dma_wait3A_260 = arith.constant 0 : i32
    %dma_wait3A_261 = tpu.memref_slice %arg6[%dma_wait3A_247, %dma_wait3A_259, %dma_wait3A_260] : memref<5x128x128xf32, #tpu.memory_space<vmem>> -> memref<1x128x128xf32, #tpu.memory_space<vmem>>
    %dma_wait3A_262 = tpu.memref_squeeze %dma_wait3A_261 : memref<1x128x128xf32, #tpu.memory_space<vmem>> -> memref<128x128xf32, #tpu.memory_space<vmem>>
    tpu.wait_dma2 semaphore(%dma_wait3A_256 : memref<!tpu.dma_semaphore, #tpu.memory_space<semaphore_mem>>) src(%dma_wait3A_262 : memref<128x128xf32, #tpu.memory_space<vmem>>) dst(%dma_wait3A_258 : memref<128x128xf32, #tpu.memory_space<hbm>>)
    %add3A_263 = arith.constant 188416 : i32
    %add3A_264 = arith.addi %add3A_263, %mul3A_2 : i32
    %dma_wait3A_265 = arith.constant 1 : i32
    %dma_wait3A_266 = arith.constant 1 : i32
    %dma_wait3A_267 = arith.constant 0 : i32
    %dma_wait3A_268 = arith.constant 0 : i32
    %dma_wait3A_269 = tpu.memref_slice %arg6[%dma_wait3A_265, %dma_wait3A_267, %dma_wait3A_268] : memref<5x128x128xf32, #tpu.memory_space<vmem>> -> memref<1x128x128xf32, #tpu.memory_space<vmem>>
    %dma_wait3A_270 = tpu.memref_squeeze %dma_wait3A_269 : memref<1x128x128xf32, #tpu.memory_space<vmem>> -> memref<128x128xf32, #tpu.memory_space<vmem>>
    %dma_wait3A_271 = arith.constant 0 : i32
    %dma_wait3A_272 = tpu.memref_slice %arg4[%add3A_264, %dma_wait3A_271] : memref<204800x128xf32, #tpu.memory_space<hbm>> -> memref<128x128xf32, #tpu.memory_space<hbm>>
    %dma_wait3A_273 = tpu.memref_slice %arg8[%dma_wait3A_266] : memref<5x!tpu.dma_semaphore, #tpu.memory_space<semaphore_mem>> -> memref<1x!tpu.dma_semaphore, #tpu.memory_space<semaphore_mem>>
    %dma_wait3A_274 = tpu.memref_squeeze %dma_wait3A_273 : memref<1x!tpu.dma_semaphore, #tpu.memory_space<semaphore_mem>> -> memref<!tpu.dma_semaphore, #tpu.memory_space<semaphore_mem>>
    %dma_wait3A_275 = arith.constant 0 : i32
    %dma_wait3A_276 = tpu.memref_slice %arg4[%add3A_264, %dma_wait3A_275] : memref<204800x128xf32, #tpu.memory_space<hbm>> -> memref<128x128xf32, #tpu.memory_space<hbm>>
    %dma_wait3A_277 = arith.constant 0 : i32
    %dma_wait3A_278 = arith.constant 0 : i32
    %dma_wait3A_279 = tpu.memref_slice %arg6[%dma_wait3A_265, %dma_wait3A_277, %dma_wait3A_278] : memref<5x128x128xf32, #tpu.memory_space<vmem>> -> memref<1x128x128xf32, #tpu.memory_space<vmem>>
    %dma_wait3A_280 = tpu.memref_squeeze %dma_wait3A_279 : memref<1x128x128xf32, #tpu.memory_space<vmem>> -> memref<128x128xf32, #tpu.memory_space<vmem>>
    tpu.wait_dma2 semaphore(%dma_wait3A_274 : memref<!tpu.dma_semaphore, #tpu.memory_space<semaphore_mem>>) src(%dma_wait3A_280 : memref<128x128xf32, #tpu.memory_space<vmem>>) dst(%dma_wait3A_276 : memref<128x128xf32, #tpu.memory_space<hbm>>)
    %add3A_281 = arith.constant 192512 : i32
    %add3A_282 = arith.addi %add3A_281, %mul3A_2 : i32
    %dma_wait3A_283 = arith.constant 2 : i32
    %dma_wait3A_284 = arith.constant 2 : i32
    %dma_wait3A_285 = arith.constant 0 : i32
    %dma_wait3A_286 = arith.constant 0 : i32
    %dma_wait3A_287 = tpu.memref_slice %arg6[%dma_wait3A_283, %dma_wait3A_285, %dma_wait3A_286] : memref<5x128x128xf32, #tpu.memory_space<vmem>> -> memref<1x128x128xf32, #tpu.memory_space<vmem>>
    %dma_wait3A_288 = tpu.memref_squeeze %dma_wait3A_287 : memref<1x128x128xf32, #tpu.memory_space<vmem>> -> memref<128x128xf32, #tpu.memory_space<vmem>>
    %dma_wait3A_289 = arith.constant 0 : i32
    %dma_wait3A_290 = tpu.memref_slice %arg4[%add3A_282, %dma_wait3A_289] : memref<204800x128xf32, #tpu.memory_space<hbm>> -> memref<128x128xf32, #tpu.memory_space<hbm>>
    %dma_wait3A_291 = tpu.memref_slice %arg8[%dma_wait3A_284] : memref<5x!tpu.dma_semaphore, #tpu.memory_space<semaphore_mem>> -> memref<1x!tpu.dma_semaphore, #tpu.memory_space<semaphore_mem>>
    %dma_wait3A_292 = tpu.memref_squeeze %dma_wait3A_291 : memref<1x!tpu.dma_semaphore, #tpu.memory_space<semaphore_mem>> -> memref<!tpu.dma_semaphore, #tpu.memory_space<semaphore_mem>>
    %dma_wait3A_293 = arith.constant 0 : i32
    %dma_wait3A_294 = tpu.memref_slice %arg4[%add3A_282, %dma_wait3A_293] : memref<204800x128xf32, #tpu.memory_space<hbm>> -> memref<128x128xf32, #tpu.memory_space<hbm>>
    %dma_wait3A_295 = arith.constant 0 : i32
    %dma_wait3A_296 = arith.constant 0 : i32
    %dma_wait3A_297 = tpu.memref_slice %arg6[%dma_wait3A_283, %dma_wait3A_295, %dma_wait3A_296] : memref<5x128x128xf32, #tpu.memory_space<vmem>> -> memref<1x128x128xf32, #tpu.memory_space<vmem>>
    %dma_wait3A_298 = tpu.memref_squeeze %dma_wait3A_297 : memref<1x128x128xf32, #tpu.memory_space<vmem>> -> memref<128x128xf32, #tpu.memory_space<vmem>>
    tpu.wait_dma2 semaphore(%dma_wait3A_292 : memref<!tpu.dma_semaphore, #tpu.memory_space<semaphore_mem>>) src(%dma_wait3A_298 : memref<128x128xf32, #tpu.memory_space<vmem>>) dst(%dma_wait3A_294 : memref<128x128xf32, #tpu.memory_space<hbm>>)
    %add3A_299 = arith.constant 196608 : i32
    %add3A_300 = arith.addi %add3A_299, %mul3A_2 : i32
    %dma_wait3A_301 = arith.constant 3 : i32
    %dma_wait3A_302 = arith.constant 3 : i32
    %dma_wait3A_303 = arith.constant 0 : i32
    %dma_wait3A_304 = arith.constant 0 : i32
    %dma_wait3A_305 = tpu.memref_slice %arg6[%dma_wait3A_301, %dma_wait3A_303, %dma_wait3A_304] : memref<5x128x128xf32, #tpu.memory_space<vmem>> -> memref<1x128x128xf32, #tpu.memory_space<vmem>>
    %dma_wait3A_306 = tpu.memref_squeeze %dma_wait3A_305 : memref<1x128x128xf32, #tpu.memory_space<vmem>> -> memref<128x128xf32, #tpu.memory_space<vmem>>
    %dma_wait3A_307 = arith.constant 0 : i32
    %dma_wait3A_308 = tpu.memref_slice %arg4[%add3A_300, %dma_wait3A_307] : memref<204800x128xf32, #tpu.memory_space<hbm>> -> memref<128x128xf32, #tpu.memory_space<hbm>>
    %dma_wait3A_309 = tpu.memref_slice %arg8[%dma_wait3A_302] : memref<5x!tpu.dma_semaphore, #tpu.memory_space<semaphore_mem>> -> memref<1x!tpu.dma_semaphore, #tpu.memory_space<semaphore_mem>>
    %dma_wait3A_310 = tpu.memref_squeeze %dma_wait3A_309 : memref<1x!tpu.dma_semaphore, #tpu.memory_space<semaphore_mem>> -> memref<!tpu.dma_semaphore, #tpu.memory_space<semaphore_mem>>
    %dma_wait3A_311 = arith.constant 0 : i32
    %dma_wait3A_312 = tpu.memref_slice %arg4[%add3A_300, %dma_wait3A_311] : memref<204800x128xf32, #tpu.memory_space<hbm>> -> memref<128x128xf32, #tpu.memory_space<hbm>>
    %dma_wait3A_313 = arith.constant 0 : i32
    %dma_wait3A_314 = arith.constant 0 : i32
    %dma_wait3A_315 = tpu.memref_slice %arg6[%dma_wait3A_301, %dma_wait3A_313, %dma_wait3A_314] : memref<5x128x128xf32, #tpu.memory_space<vmem>> -> memref<1x128x128xf32, #tpu.memory_space<vmem>>
    %dma_wait3A_316 = tpu.memref_squeeze %dma_wait3A_315 : memref<1x128x128xf32, #tpu.memory_space<vmem>> -> memref<128x128xf32, #tpu.memory_space<vmem>>
    tpu.wait_dma2 semaphore(%dma_wait3A_310 : memref<!tpu.dma_semaphore, #tpu.memory_space<semaphore_mem>>) src(%dma_wait3A_316 : memref<128x128xf32, #tpu.memory_space<vmem>>) dst(%dma_wait3A_312 : memref<128x128xf32, #tpu.memory_space<hbm>>)
    %add3A_317 = arith.constant 200704 : i32
    %add3A_318 = arith.addi %add3A_317, %mul3A_2 : i32
    %dma_wait3A_319 = arith.constant 4 : i32
    %dma_wait3A_320 = arith.constant 4 : i32
    %dma_wait3A_321 = arith.constant 0 : i32
    %dma_wait3A_322 = arith.constant 0 : i32
    %dma_wait3A_323 = tpu.memref_slice %arg6[%dma_wait3A_319, %dma_wait3A_321, %dma_wait3A_322] : memref<5x128x128xf32, #tpu.memory_space<vmem>> -> memref<1x128x128xf32, #tpu.memory_space<vmem>>
    %dma_wait3A_324 = tpu.memref_squeeze %dma_wait3A_323 : memref<1x128x128xf32, #tpu.memory_space<vmem>> -> memref<128x128xf32, #tpu.memory_space<vmem>>
    %dma_wait3A_325 = arith.constant 0 : i32
    %dma_wait3A_326 = tpu.memref_slice %arg4[%add3A_318, %dma_wait3A_325] : memref<204800x128xf32, #tpu.memory_space<hbm>> -> memref<128x128xf32, #tpu.memory_space<hbm>>
    %dma_wait3A_327 = tpu.memref_slice %arg8[%dma_wait3A_320] : memref<5x!tpu.dma_semaphore, #tpu.memory_space<semaphore_mem>> -> memref<1x!tpu.dma_semaphore, #tpu.memory_space<semaphore_mem>>
    %dma_wait3A_328 = tpu.memref_squeeze %dma_wait3A_327 : memref<1x!tpu.dma_semaphore, #tpu.memory_space<semaphore_mem>> -> memref<!tpu.dma_semaphore, #tpu.memory_space<semaphore_mem>>
    %dma_wait3A_329 = arith.constant 0 : i32
    %dma_wait3A_330 = tpu.memref_slice %arg4[%add3A_318, %dma_wait3A_329] : memref<204800x128xf32, #tpu.memory_space<hbm>> -> memref<128x128xf32, #tpu.memory_space<hbm>>
    %dma_wait3A_331 = arith.constant 0 : i32
    %dma_wait3A_332 = arith.constant 0 : i32
    %dma_wait3A_333 = tpu.memref_slice %arg6[%dma_wait3A_319, %dma_wait3A_331, %dma_wait3A_332] : memref<5x128x128xf32, #tpu.memory_space<vmem>> -> memref<1x128x128xf32, #tpu.memory_space<vmem>>
    %dma_wait3A_334 = tpu.memref_squeeze %dma_wait3A_333 : memref<1x128x128xf32, #tpu.memory_space<vmem>> -> memref<128x128xf32, #tpu.memory_space<vmem>>
    tpu.wait_dma2 semaphore(%dma_wait3A_328 : memref<!tpu.dma_semaphore, #tpu.memory_space<semaphore_mem>>) src(%dma_wait3A_334 : memref<128x128xf32, #tpu.memory_space<vmem>>) dst(%dma_wait3A_330 : memref<128x128xf32, #tpu.memory_space<hbm>>)
    return
  }
}

</mosaic_0001>

<sc_bundles>
// kernel: _gather_sc.3.cloned.1.call-start
scs
__scs_entry_jumppad:
0x0: {  	(pc) =	sbr.rel $0x88, $3  }
0x1: {  	(tag) =	ssettag $0x0;
	lr =	simm.s32 $0x1  }
0x2: {  	[smem:$0x3F9F] =	sst lr;
	_ =	strace $0xD0000000  }
0x3: {  	_ = 	snop  }
0x4: {  	_ = 	snop  }
0x5: {  	_ = 	snop  }
0x6: {  	_ = 	snop  }
0x7: {  	_ = 	snop  }
__scs_overlays_trampoline_lowered:
0x8: {  	[smem:$0x3FAE] =	sst s0  }
0x9: {  	[smem:$0x3FAF] =	sst s1  }
0xa: {  	[smem:$0x3FB0] =	sst s2  }
0xb: {  	[smem:$0x3FB1] =	sst s3  }
0xc: {  	[smem:$0x3FB2] =	sst s4  }
0xd: {  	[smem:$0x3FB3] =	sst s5  }
0xe: {  	[smem:$0x3FB4] =	sst s6  }
0xf: {  	[smem:$0x3FB5] =	sst s7  }
0x10: {  	[smem:$0x3FB6] =	sst s8  }
0x11: {  	[smem:$0x3FB7] =	sst s9;
	s0 =	simm.s32 @!p0 $0x0  }
0x12: {  	s1 =	sld [smem:$0x3F9D];
	s0 =	simm.s32 @p0 $0x1  }
0x13: {  	[smem:$0x3FB8] =	sst s0;
	s0 =	simm.s32 @!p1 $0x0  }
0x14: {  	s2 =	sld [smem:$0x3F9C];
	s0 =	simm.s32 @p1 $0x1  }
0x15: {  	[smem:$0x3FB9] =	sst s0;
	s0 =	simm.s32 @!p2 $0x0  }
0x16: {  	s3 =	sld [smem:$0x3FDB];
	s0 =	simm.s32 @p2 $0x1  }
0x17: {  	s4 =	simm.s32 $0x1BF5;
	[smem:$0x3FBB] =	sst s0  }
0x18: {  	s0 =	sld [smem:$0x3F9E];
	_ =	swait.ge [sflag:s4], $0x0  }
0x19: {  	s7 =	sld [smem:$0x3F9F]  }
0x1a: {  	s8 =	sadd.s32 $0xFFFFE003, lr  }
0x1b: {  	s9 =	sadd.s32 $0xFFFFFEF7, lr;
	s5 =	simm.s32 $0xFFFFFFFF;
	p2 =	slt.u32 s8, $0xFFFFF086  }
0x1c: {  	p1 =	slt.u32 s9, $0xF7A;
	s5 =	simm.s32 @!p2 $0x0  }
0x1d: {  	s5 =	simm.s32 @p1 $0x1;
	p0 =	seq.s32 s7, s2  }
0x1e: {  	s7 =	smul.u32 @!p0 $0xF7A, s2;
	p2 =	seq.s32 @!p0 s5, $0x0  }
0x1f: {  	s9 =	smul.u32 $0xF7A, s1;
	s8 =	simm.s32 @!p0 $0x1BF5;
	p2 =	por !p2, p0  }
0x20: {  	[sflag:s8] =	ssyncset.s32 @!p0 $0xFFFFF086;
	s6 =	sadd.s32 @!p0 s3, s7;
	s7 =	simm.s32 @!p0 $0x108  }
0x21: {  	s3 =	sadd.s32 s3, s9;
	s6 =	sadd.s32 @!p0 $0x88, s6;
	s7 =	simm.s32 @p2 $0x1082  }
0x22: {  	[simem:s7], [sflag:s8] =	dma.local @!p0 [hbm:s6], $0xF7A  }
0x23: {  	s9 =	sor.u32 $0xD0000000, s2;
	s6 =	simm.s32 $0x108;
	_ =	swait.ge @!p0 [sflag:s8], $0x0  }
0x24: {  	s3 =	sadd.s32 $0x88, s3;
	s6 =	simm.s32 @!p1 $0x1082;
	[sflag:s4] =	ssyncset.s32 $0xFFFFF086  }
0x25: {  	[simem:s6], [sflag:s4] =	dma.local [hbm:s3], $0xF7A  }
0x26: {  	[smem:$0x3F9F] =	sst s1;
	(tag) =	ssettag s2;
	_ =	strace s9  }
0x27: {  	s1 =	sld [smem:$0x3FAF]  }
0x28: {  	s2 =	sld [smem:$0x3FB0]  }
0x29: {  	s4 =	sld [smem:$0x3FB2]  }
0x2a: {  	p0 =	seq.s32 s5, $0x0;
	s5 =	sld [smem:$0x3FB3]  }
0x2b: {  	s6 =	sld [smem:$0x3FB4]  }
0x2c: {  	s7 =	sld [smem:$0x3FB5]  }
0x2d: {  	s3 =	simm.s32 $0x108;
	s8 =	sld [smem:$0x3FB6]  }
0x2e: {  	s3 =	simm.s32 @!p0 $0x1082;
	s9 =	sld [smem:$0x3FB7]  }
0x2f: {  	lr =	sadd.s32 s0, s3;
	s0 =	sld [smem:$0x3FAE]  }
0x30: {  	s3 =	sld [smem:$0x3FB1]  }
0x31: {  	[smem:$0x3FBA] =	sst s10  }
0x32: {  	s10 =	sld [smem:$0x3FB8];
	_ =	sdelay $0x3  }
0x33: {  	p0 =	seq.s32 s10, $0x1;
	s10 =	sld [smem:$0x3FBA];
	_ =	sdelay $0x3  }
0x34: {  	[smem:$0x3FBA] =	sst s10  }
0x35: {  	s10 =	sld [smem:$0x3FB9];
	_ =	sdelay $0x3  }
0x36: {  	p1 =	seq.s32 s10, $0x1;
	s10 =	sld [smem:$0x3FBA];
	_ =	sdelay $0x3  }
0x37: {  	[smem:$0x3FBA] =	sst s10  }
0x38: {  	s10 =	sld [smem:$0x3FBB]  }
0x39: {  	_ = 	snop;
	(pc) =	sbr.ind lr, $3  }
0x3a: {  	_ = 	snop  }
0x3b: {  	_ = 	snop  }
0x3c: {  	p2 =	seq.s32 s10, $0x1;
	s10 =	sld [smem:$0x3FBA]  }
0x3d: {  	_ =	shalt  }
0x3e: {  	_ =	shalt  }
0x3f: {  	_ =	shalt  }
0x40: {  	_ =	shalt  }
0x41: {  	_ =	shalt  }
0x42: {  	_ =	shalt  }
0x43: {  	_ =	shalt  }
0x44: {  	_ =	shalt  }
0x45: {  	_ =	shalt  }
0x46: {  	_ =	shalt  }
0x47: {  	_ =	shalt  }
0x48: {  	_ =	shalt  }
0x49: {  	_ =	shalt  }
0x4a: {  	_ =	shalt  }
0x4b: {  	_ =	shalt  }
0x4c: {  	_ =	shalt  }
0x4d: {  	_ =	shalt  }
0x4e: {  	_ =	shalt  }
0x4f: {  	_ =	shalt  }
0x50: {  	_ =	shalt  }
0x51: {  	_ =	shalt  }
0x52: {  	_ =	shalt  }
0x53: {  	_ =	shalt  }
0x54: {  	_ =	shalt  }
0x55: {  	_ =	shalt  }
0x56: {  	_ =	shalt  }
0x57: {  	_ =	shalt  }
0x58: {  	_ =	shalt  }
0x59: {  	_ =	shalt  }
0x5a: {  	_ =	shalt  }
0x5b: {  	_ =	shalt  }
0x5c: {  	_ =	shalt  }
0x5d: {  	_ =	shalt  }
0x5e: {  	_ =	shalt  }
0x5f: {  	_ =	shalt  }
0x60: {  	_ =	shalt  }
0x61: {  	_ =	shalt  }
0x62: {  	_ =	shalt  }
0x63: {  	_ =	shalt  }
0x64: {  	_ =	shalt  }
0x65: {  	_ =	shalt  }
0x66: {  	_ =	shalt  }
0x67: {  	_ =	shalt  }
0x68: {  	_ =	shalt  }
0x69: {  	_ =	shalt  }
0x6a: {  	_ =	shalt  }
0x6b: {  	_ =	shalt  }
0x6c: {  	_ =	shalt  }
0x6d: {  	_ =	shalt  }
0x6e: {  	_ =	shalt  }
0x6f: {  	_ =	shalt  }
0x70: {  	_ =	shalt  }
0x71: {  	_ =	shalt  }
0x72: {  	_ =	shalt  }
0x73: {  	_ =	shalt  }
0x74: {  	_ =	shalt  }
0x75: {  	_ =	shalt  }
0x76: {  	_ =	shalt  }
0x77: {  	_ =	shalt  }
0x78: {  	_ =	shalt  }
0x79: {  	_ =	shalt  }
0x7a: {  	_ =	shalt  }
0x7b: {  	_ =	shalt  }
0x7c: {  	_ =	shalt  }
0x7d: {  	_ =	shalt  }
0x7e: {  	_ =	shalt  }
0x7f: {  	_ =	shalt  }
0x80: {  	_ =	shalt  }
0x81: {  	_ =	shalt  }
0x82: {  	_ =	shalt  }
0x83: {  	_ =	shalt  }
0x84: {  	_ =	shalt  }
0x85: {  	_ =	shalt  }
0x86: {  	_ =	shalt  }
0x87: {  	_ =	shalt  }
.Lfunc_end0:
.L_simem_size_0:
called_computation_lowered:
.L_overlay_start_0:
0x88: {  	s2 =	sld [smem:$0x3FD9]  }
0x89: {  	s3 =	sld [smem:$0x3FFE];
	_ =	sdelay $0x1  }
0x8a: {  	s1 =	srdreg.scid  }
0x8b: {  	s0 =	sand.u32 $0x1, s1  }
0x8c: {  	s18 =	sshll.u32 s0, $0xA;
	s2 =	sadd.s32 s3, s2  }
0x8d: {  	s2 =	sadd.s32 s2, s18  }
0x8e: {  	[smem:$0x3FC6] =	sst s2  }
0x8f: {  	_ = 	snop  }
0x90: {  	s2 =	sld [smem:$0x3FC9]  }
0x91: {  	s19 =	sld [smem:$0x3FC8]  }
0x92: {  	s4 =	sld [smem:$0x3FD0];
	(tm) =	ssettm $0x1  }
0x93: {  	s5 =	sld [smem:$0x3FFB];
	_ =	sdelay $0x3  }
0x94: {  	_ =	strace s5  }
0x95: {  	s5 =	sld [smem:$0x3FFC];
	_ =	sdelay $0x3  }
0x96: {  	_ =	strace s5  }
0x97: {  	s5 =	sld [smem:$0x3FFD];
	_ =	sdelay $0x3  }
0x98: {  	_ =	strace s5  }
0x99: {  	_ =	strace $0x8FFFFFFF  }
0x9a: {  	s20 =	sld [smem:$0x3FDB];
	_ =	sdelay $0x1  }
0x9b: {  	s6 =	simm.s32 $_scs_section_size  }
0x9c: {  	s7 =	simm.s32 $_size__tile_overlayer_lowered;
	s8 =	simm.s32 $_tile_overlayer_lowered  }
0x9d: {  	s23 =	simm.s32 $0x1BFF;
	s22 =	sshll.u32 s8, $0x1;
	s5 =	sadd.s32 s6, s20  }
0x9e: {  	s9 =	simm.s32 $0x0;
	s21 =	sshll.u32 s7, $0x1;
	s7 =	sadd.s32 s22, s5  }
0x9f: {  	[timem:s9], [sflag:s23] =	dma.local [hbm:s7], s21  }
0xa0: {  	_ =	swait.ge [sflag:s23], s21  }
0xa1: {  	s6 =	ssub.s32 $0x0, s21;
	[sflag:s23] =	ssyncset.done $0x0  }
0xa2: {  	[sflag:s23] =	ssyncadd.s32 s6;
	_ =	sdelay $0x1  }
0xa3: {  	s24 =	simm.s32 $0x1B8B  }
0xa4: {  	_ =	swait.ge [sflag:s24], $0x1  }
0xa5: {  	[sflag:s24] =	ssyncset.done $0x0  }
0xa6: {  	s25 =	simm.s32 $0x1B8E;
	[sflag:s24] =	ssyncadd.s32 $0xFFFFFFFF  }
0xa7: {  	s26 =	simm.s32 $execute0_lowered;
	[smem:$0x3FD2] =	sst s25  }
0xa8: {  	s6 =	sshll.u32 s26, $0x1;
	_ =	strace $0x80000046;
	[dreg:$0x1] =	wrdreg $0xFFFFFFFF  }
0xa9: {  	s28 =	simm.s32 $_size_execute0_lowered;
	s5 =	sadd.s32 s5, s6;
	[dreg:$0x0] =	wrdreg $0x0  }
0xaa: {  	s6 =	sshll.u32 s28, $0x1;
	[dreg:$0x2] =	wrdreg s5  }
0xab: {  	[dreg:$0x3] =	wrdreg s6  }
0xac: {  	[dreg:$0x4] =	wrdreg $0xC0  }
0xad: {  	_ =	task [dreg:s9], $0x5FFFF  }
0xae: {  	[dreg:$0x1] =	wrdreg $0xFFFFFFFF  }
0xaf: {  	[dreg:$0x0] =	wrdreg $0x60  }
0xb0: {  	[dreg:$0x2] =	wrdreg s2  }
0xb1: {  	[dreg:$0x3] =	wrdreg s19  }
0xb2: {  	[dreg:$0x4] =	wrdreg s4  }
0xb3: {  	[dreg:$0x5] =	wrdreg $0x9  }
0xb4: {  	_ =	task.clear_ibuf [dreg:s9], $0x6FFFF;
	_ =	strace $0x90000046  }
0xb5: {  	s29 =	simm.s32 $0x9;
	_ =	strace $0x80000048  }
0xb6: {  	_ =	swait.ge [sflag:s29], $0x1  }
0xb7: {  	[sflag:s29] =	ssyncadd.s32 $0xFFFFFFFF  }
0xb8: {  	_ =	strace $0x90000048  }
0xb9: {  	_ =	sfence  }
0xba: {  	s30 =	sld [smem:$0x0];
	_ =	sdelay $0x2  }
0xbb: {  	s31 =	sshll.u32 s1, $0xD;
	s1 =	sshrl.u32 s1, $0x2  }
0xbc: {  	s3 =	sand.u32 $0x4000, s31;
	s1 =	sadd.s32 s1, s30  }
0xbd: {  	s0 =	sor.u32 s3, s0;
	s1 =	sshll.u32 s1, $0x11  }
0xbe: {  	s0 =	sor.u32 s1, s0  }
0xbf: {  	s0 =	sadd.s32 $0x8F2B, s0  }
0xc0: {  	[sflag:s0] =	ssyncadd.remote.s32 $0x1  }
0xc1: {  	_ =	sfence.sel $0xFFFF  }
0xc2: {  	[dreg:$0x0] =	wrdreg $0xFFFFFFFF;
	(pc) =	sbr.abs _section_cstart, $3  }
0xc3: {  	[dreg:$0x1] =	wrdreg $0xFFFFFFFF  }
0xc4: {  	_ =	task.clear_ibuf [dreg:s9], $0x2FFFF;
	_ =	strace $0x9FFFFFFF  }
0xc5: {  	(tm) =	ssettm $0x7FFFFFFF  }
tec
execute0_lowered:
.L_overlay_start_1:
0x0: {  	(tag) =	ssettag $0x1  }
0x1: {  	s0 =	rddreg [dreg:$0x0]  }
0x2: {  	s2 =	rddreg [dreg:$0x1]  }
0x3: {  	s1 =	rddreg [dreg:$0x2];
	s3 =	srdreg.scid  }
0x4: {  	s9 =	stileid.u32;
	s16 =	simm.s32 $0xB;
	s17 =	simm.s32 $0x80  }
0x5: {  	s18 =	simm.s32 $0x1C00;
	s19 =	simm.s32 $0x5C00;
	s21 =	simm.s32 $0x9C00  }
0x6: {  	s28 =	simm.s32 $0x6;
	s29 =	simm.s32 $0x2;
	s30 =	simm.s32 $0x7  }
0x7: {  	s31 =	simm.s32 $0x3;
	s13 =	simm.s32 $0x9;
	s14 =	simm.s32 $0x5  }
0x8: {  	s15 =	simm.s32 $0xA;
	s20 =	simm.s32 $0x0;
	s5 =	sand.u32 $0x1, s3  }
0x9: {  	s3 =	simm.s32 $0x0;
	s4 =	sshll.u32 s9, $0x8;
	s10 =	sshll.u32 s9, $0xC  }
0xa: {  	s6 =	sshll.u32 s5, $0x7;
	[smem:$0x7FF] =	sst s3;
	s23 =	ssub.s32 $0x2, s5  }
0xb: {  	s5 =	sshll.u32 s5, $0xB;
	s4 =	sor.u32 s6, s4;
	_ =	strace $0x80000047  }
0xc: {  	s8 =	sshrl.u32 s23, $0x1;
	s7 =	sshll.u32 s4, $0x4;
	s4 =	sadd.s32 s0, s4  }
0xd: {  	s11 =	ssub.s32 s23, s8;
	s23 =	simm.s32 $0xDC00;
	s0 =	simm.s32 $0x8  }
0xe: {  	s24 =	sadd.s32 s7, s1;
	s25 =	sadd.s32 $0x6000, s4;
	s1 =	sadd.s32 s10, s1  }
0xf: {  	s11 =	smax.u32 s11, $0x1;
	[dreg:$0x4] =	wrdreg s25;
	s26 =	sadd.s32 $0x2D0000, s24  }
0x10: {  	s7 =	sadd.s32 $0x2E0000, s24;
	s8 =	sadd.s32 $0x2F0000, s24;
	s9 =	sadd.s32 $0x300000, s24  }
0x11: {  	s10 =	sadd.s32 $0x310000, s24;
	s12 =	sadd.s32 s5, s1;
	s25 =	simm.s32 $0x11C00  }
0x12: {  	s1 =	simm.s32 $0x4;
	[dreg:$0x5] =	wrdreg s26;
	s26 =	simm.s32 $0x1  }
.LBB2_1:
0x13: {  	s5 =	simm.s32 $0x400;
	s6 =	simm.s32 $0x8000  }
0x14: {  	[tilespmem:s3], [sflag:$0xB] =	stream.strided.gather [hbm4b:s4+s5], $0x1800, s6, s5, $0x38;
	[tilespmem:$0x15C00] =	vst v63  }
0x15: {  	s22 =	rddreg [dreg:$0x4];
	s24 =	simm.s32 $0x1800  }
0x16: {  	[tilespmem:s24], [sflag:$0xB] =	stream.linear.gather [hbm4b:s22+s3], $0x100, $0x38;
	[tilespmem:$0x15C00] =	vst v63  }
0x17: {  	_ =	swait.ge [sflag:s16], $0x1900  }
0x18: {  	[sflag:s16] =	ssyncset.done $0x0  }
0x19: {  	[sflag:s16] =	ssyncadd.s32 $0xFFFFE700  }
0x1a: {  	[tilespmem:s18], [sflag:$0x1] =	stream.indirect.gather [hbm4b:s2+s17], $0x80, s3, s17, $0xb8;
	[tilespmem:$0x15C00] =	vst v63  }
0x1b: {  	_ = 	snop  }
0x1c: {  	[tilespmem:s19], [sflag:$0x2] =	stream.indirect.gather [hbm4b:s2+s17], $0x80, s17, s17, $0xb8;
	[tilespmem:$0x15C00] =	vst v63  }
0x1d: {  	s22 =	simm.s32 $0x100  }
0x1e: {  	[tilespmem:s21], [sflag:$0x3] =	stream.indirect.gather [hbm4b:s2+s17], $0x80, s22, s17, $0xb8;
	[tilespmem:$0x15C00] =	vst v63  }
0x1f: {  	s24 =	simm.s32 $0x180  }
0x20: {  	[tilespmem:s23], [sflag:$0x4] =	stream.indirect.gather [hbm4b:s2+s17], $0x80, s24, s17, $0xb8;
	[tilespmem:$0x15C00] =	vst v63  }
0x21: {  	s6 =	simm.s32 $0x200  }
0x22: {  	[tilespmem:s25], [sflag:$0x5] =	stream.indirect.gather [hbm4b:s2+s17], $0x80, s6, s17, $0xb8;
	[tilespmem:$0x15C00] =	vst v63  }
0x23: {  	_ =	swait.ge [sflag:s26], $0x4000  }
0x24: {  	[sflag:s26] =	ssyncset.done $0x0  }
0x25: {  	[sflag:s26] =	ssyncadd.s32 $0xFFFFC000  }
0x26: {  	[hbm4b:s12+s3] =	stream.linear.scatter [tilespmem:s18], [sflag:$0x6], $0x4000, $0x38;
	[tilespmem:$0x15C00] =	vst v63  }
0x27: {  	_ =	swait.ge [sflag:s28], $0x4000  }
0x28: {  	[sflag:s28] =	ssyncset.done $0x0  }
0x29: {  	s22 =	simm.s32 $0x280;
	[sflag:s28] =	ssyncadd.s32 $0xFFFFC000  }
0x2a: {  	[tilespmem:s18], [sflag:$0x1] =	stream.indirect.gather [hbm4b:s2+s17], $0x80, s22, s17, $0xb8;
	[tilespmem:$0x15C00] =	vst v63  }
0x2b: {  	_ =	swait.ge [sflag:s29], $0x4000  }
0x2c: {  	[sflag:s29] =	ssyncset.done $0x0  }
0x2d: {  	s24 =	sadd.s32 $0x10000, s12;
	[sflag:s29] =	ssyncadd.s32 $0xFFFFC000  }
0x2e: {  	[hbm4b:s24+s3] =	stream.linear.scatter [tilespmem:s19], [sflag:$0x7], $0x4000, $0x38;
	[tilespmem:$0x15C00] =	vst v63  }
0x2f: {  	_ =	swait.ge [sflag:s30], $0x4000  }
0x30: {  	[sflag:s30] =	ssyncset.done $0x0  }
0x31: {  	s6 =	simm.s32 $0x300;
	[sflag:s30] =	ssyncadd.s32 $0xFFFFC000  }
0x32: {  	[tilespmem:s19], [sflag:$0x2] =	stream.indirect.gather [hbm4b:s2+s17], $0x80, s6, s17, $0xb8;
	[tilespmem:$0x15C00] =	vst v63  }
0x33: {  	_ =	swait.ge [sflag:s31], $0x4000  }
0x34: {  	[sflag:s31] =	ssyncset.done $0x0  }
0x35: {  	s22 =	sadd.s32 $0x20000, s12;
	[sflag:s31] =	ssyncadd.s32 $0xFFFFC000  }
0x36: {  	[hbm4b:s22+s3] =	stream.linear.scatter [tilespmem:s21], [sflag:$0x8], $0x4000, $0x38;
	[tilespmem:$0x15C00] =	vst v63  }
0x37: {  	_ =	swait.ge [sflag:s0], $0x4000  }
0x38: {  	[sflag:s0] =	ssyncset.done $0x0  }
0x39: {  	s24 =	simm.s32 $0x380;
	[sflag:s0] =	ssyncadd.s32 $0xFFFFC000  }
0x3a: {  	[tilespmem:s21], [sflag:$0x3] =	stream.indirect.gather [hbm4b:s2+s17], $0x80, s24, s17, $0xb8;
	[tilespmem:$0x15C00] =	vst v63  }
0x3b: {  	_ =	swait.ge [sflag:s1], $0x4000  }
0x3c: {  	[sflag:s1] =	ssyncset.done $0x0  }
0x3d: {  	s6 =	sadd.s32 $0x30000, s12;
	[sflag:s1] =	ssyncadd.s32 $0xFFFFC000  }
0x3e: {  	[hbm4b:s6+s3] =	stream.linear.scatter [tilespmem:s23], [sflag:$0x9], $0x4000, $0x38;
	[tilespmem:$0x15C00] =	vst v63  }
0x3f: {  	_ =	swait.ge [sflag:s13], $0x4000  }
0x40: {  	[sflag:s13] =	ssyncset.done $0x0  }
0x41: {  	s22 =	simm.s32 $0x400;
	[sflag:s13] =	ssyncadd.s32 $0xFFFFC000  }
0x42: {  	[tilespmem:s23], [sflag:$0x4] =	stream.indirect.gather [hbm4b:s2+s17], $0x80, s22, s17, $0xb8;
	[tilespmem:$0x15C00] =	vst v63  }
0x43: {  	_ =	swait.ge [sflag:s14], $0x4000  }
0x44: {  	[sflag:s14] =	ssyncset.done $0x0  }
0x45: {  	s24 =	sadd.s32 $0x40000, s12;
	[sflag:s14] =	ssyncadd.s32 $0xFFFFC000  }
0x46: {  	[hbm4b:s24+s3] =	stream.linear.scatter [tilespmem:s25], [sflag:$0xA], $0x4000, $0x38;
	[tilespmem:$0x15C00] =	vst v63  }
0x47: {  	_ =	swait.ge [sflag:s15], $0x4000  }
0x48: {  	s5 =	simm.s32 $0x480;
	[sflag:s15] =	ssyncset.done $0x0  }
0x49: {  	s22 =	simm.s32 $0xA00;
	s24 =	sadd.s32 $0x50000, s12;
	[sflag:s15] =	ssyncadd.s32 $0xFFFFC000  }
.LBB2_2:
0x4a: {  	[tilespmem:s25], [sflag:$0x5] =	stream.indirect.gather [hbm4b:s2+s17], $0x80, s5, s17, $0xb8;
	[tilespmem:$0x15C00] =	vst v63  }
0x4b: {  	s5 =	smov.u32 s22  }
0x4c: {  	p0 =	sne.s32 s22, $0x5000;
	s22 =	sadd.s32 $0xA00, s22;
	_ =	swait.ge [sflag:s26], $0x4000  }
0x4d: {  	[sflag:s26] =	ssyncset.done $0x0  }
0x4e: {  	[sflag:s26] =	ssyncadd.s32 $0xFFFFC000  }
0x4f: {  	[hbm4b:s24+s3] =	stream.linear.scatter [tilespmem:s18], [sflag:$0x6], $0x4000, $0x38;
	[tilespmem:$0x15C00] =	vst v63  }
0x50: {  	_ =	swait.ge [sflag:s28], $0x4000  }
0x51: {  	s5 =	sshra.s32 s5, $0x2;
	[sflag:s28] =	ssyncset.done $0x0  }
0x52: {  	s6 =	sadd.s32 $0x280, s5;
	[sflag:s28] =	ssyncadd.s32 $0xFFFFC000  }
0x53: {  	[tilespmem:s18], [sflag:$0x1] =	stream.indirect.gather [hbm4b:s2+s17], $0x80, s6, s17, $0xb8;
	[tilespmem:$0x15C00] =	vst v63  }
0x54: {  	_ =	swait.ge [sflag:s29], $0x4000  }
0x55: {  	[sflag:s29] =	ssyncset.done $0x0  }
0x56: {  	s6 =	sadd.s32 $0x10000, s24;
	[sflag:s29] =	ssyncadd.s32 $0xFFFFC000  }
0x57: {  	[hbm4b:s6+s3] =	stream.linear.scatter [tilespmem:s19], [sflag:$0x7], $0x4000, $0x38;
	[tilespmem:$0x15C00] =	vst v63  }
0x58: {  	_ =	swait.ge [sflag:s30], $0x4000  }
0x59: {  	[sflag:s30] =	ssyncset.done $0x0  }
0x5a: {  	s6 =	sadd.s32 $0x300, s5;
	[sflag:s30] =	ssyncadd.s32 $0xFFFFC000  }
0x5b: {  	[tilespmem:s19], [sflag:$0x2] =	stream.indirect.gather [hbm4b:s2+s17], $0x80, s6, s17, $0xb8;
	[tilespmem:$0x15C00] =	vst v63  }
0x5c: {  	_ =	swait.ge [sflag:s31], $0x4000  }
0x5d: {  	[sflag:s31] =	ssyncset.done $0x0  }
0x5e: {  	s6 =	sadd.s32 $0x20000, s24;
	[sflag:s31] =	ssyncadd.s32 $0xFFFFC000  }
0x5f: {  	[hbm4b:s6+s3] =	stream.linear.scatter [tilespmem:s21], [sflag:$0x8], $0x4000, $0x38;
	[tilespmem:$0x15C00] =	vst v63  }
0x60: {  	_ =	swait.ge [sflag:s0], $0x4000  }
0x61: {  	[sflag:s0] =	ssyncset.done $0x0  }
0x62: {  	s6 =	sadd.s32 $0x380, s5;
	[sflag:s0] =	ssyncadd.s32 $0xFFFFC000  }
0x63: {  	[tilespmem:s21], [sflag:$0x3] =	stream.indirect.gather [hbm4b:s2+s17], $0x80, s6, s17, $0xb8;
	[tilespmem:$0x15C00] =	vst v63  }
0x64: {  	_ =	swait.ge [sflag:s1], $0x4000  }
0x65: {  	[sflag:s1] =	ssyncset.done $0x0  }
0x66: {  	s6 =	sadd.s32 $0x30000, s24;
	[sflag:s1] =	ssyncadd.s32 $0xFFFFC000  }
0x67: {  	[hbm4b:s6+s3] =	stream.linear.scatter [tilespmem:s23], [sflag:$0x9], $0x4000, $0x38;
	[tilespmem:$0x15C00] =	vst v63  }
0x68: {  	_ =	swait.ge [sflag:s13], $0x4000  }
0x69: {  	[sflag:s13] =	ssyncset.done $0x0  }
0x6a: {  	s6 =	sadd.s32 $0x400, s5;
	[sflag:s13] =	ssyncadd.s32 $0xFFFFC000  }
0x6b: {  	[tilespmem:s23], [sflag:$0x4] =	stream.indirect.gather [hbm4b:s2+s17], $0x80, s6, s17, $0xb8;
	[tilespmem:$0x15C00] =	vst v63  }
0x6c: {  	_ =	swait.ge [sflag:s14], $0x4000  }
0x6d: {  	[sflag:s14] =	ssyncset.done $0x0  }
.Ltmp0:
0x6e: {  	s6 =	sadd.s32 $0x40000, s24;
	[sflag:s14] =	ssyncadd.s32 $0xFFFFC000;
	(pc) =	sbr.rel @p0 .LBB2_2-.Ltmp0, $4  }
0x6f: {  	[hbm4b:s6+s3] =	stream.linear.scatter [tilespmem:s25], [sflag:$0xA], $0x4000, $0x38;
	[tilespmem:$0x15C00] =	vst v63  }
0x70: {  	_ =	swait.ge [sflag:s15], $0x4000  }
0x71: {  	[sflag:s15] =	ssyncset.done $0x0  }
0x72: {  	s5 =	sadd.s32 $0x480, s5;
	s24 =	sadd.s32 $0x50000, s24;
	[sflag:s15] =	ssyncadd.s32 $0xFFFFC000  }
0x73: {  	[tilespmem:s25], [sflag:$0x5] =	stream.indirect.gather [hbm4b:s2+s17], $0x80, s5, s17, $0xb8;
	[tilespmem:$0x15C00] =	vst v63  }
0x74: {  	_ =	swait.ge [sflag:s26], $0x4000  }
0x75: {  	[sflag:s26] =	ssyncset.done $0x0  }
0x76: {  	s24 =	rddreg [dreg:$0x5];
	[sflag:s26] =	ssyncadd.s32 $0xFFFFC000  }
0x77: {  	[hbm4b:s24+s3] =	stream.linear.scatter [tilespmem:s18], [sflag:$0x6], $0x4000, $0x38;
	[tilespmem:$0x15C00] =	vst v63  }
0x78: {  	_ =	swait.ge [sflag:s29], $0x4000  }
0x79: {  	[sflag:s29] =	ssyncset.done $0x0  }
0x7a: {  	[sflag:s29] =	ssyncadd.s32 $0xFFFFC000  }
0x7b: {  	[hbm4b:s7+s3] =	stream.linear.scatter [tilespmem:s19], [sflag:$0x7], $0x4000, $0x38;
	[tilespmem:$0x15C00] =	vst v63  }
0x7c: {  	_ =	swait.ge [sflag:s31], $0x4000  }
0x7d: {  	[sflag:s31] =	ssyncset.done $0x0  }
0x7e: {  	[sflag:s31] =	ssyncadd.s32 $0xFFFFC000  }
0x7f: {  	[hbm4b:s8+s3] =	stream.linear.scatter [tilespmem:s21], [sflag:$0x8], $0x4000, $0x38;
	[tilespmem:$0x15C00] =	vst v63  }
0x80: {  	_ =	swait.ge [sflag:s1], $0x4000  }
0x81: {  	[sflag:s1] =	ssyncset.done $0x0  }
0x82: {  	[sflag:s1] =	ssyncadd.s32 $0xFFFFC000  }
0x83: {  	[hbm4b:s9+s3] =	stream.linear.scatter [tilespmem:s23], [sflag:$0x9], $0x4000, $0x38;
	[tilespmem:$0x15C00] =	vst v63  }
0x84: {  	_ =	swait.ge [sflag:s14], $0x4000  }
0x85: {  	[sflag:s14] =	ssyncset.done $0x0  }
0x86: {  	[sflag:s14] =	ssyncadd.s32 $0xFFFFC000  }
0x87: {  	[hbm4b:s10+s3] =	stream.linear.scatter [tilespmem:s25], [sflag:$0xA], $0x4000, $0x38;
	[tilespmem:$0x15C00] =	vst v63  }
0x88: {  	_ =	swait.ge [sflag:s28], $0x4000  }
0x89: {  	[sflag:s28] =	ssyncset.done $0x0  }
0x8a: {  	[sflag:s28] =	ssyncadd.s32 $0xFFFFC000  }
0x8b: {  	_ =	swait.ge [sflag:s30], $0x4000  }
0x8c: {  	[sflag:s30] =	ssyncset.done $0x0  }
0x8d: {  	[sflag:s30] =	ssyncadd.s32 $0xFFFFC000  }
0x8e: {  	_ =	swait.ge [sflag:s0], $0x4000  }
0x8f: {  	[sflag:s0] =	ssyncset.done $0x0  }
0x90: {  	s20 =	sadd.s32 $0x1, s20;
	[sflag:s0] =	ssyncadd.s32 $0xFFFFC000  }
0x91: {  	p0 =	sne.s32 s20, s11;
	_ =	swait.ge [sflag:s13], $0x4000  }
.Ltmp1:
0x92: {  	[sflag:s13] =	ssyncset.done $0x0;
	(pc) =	sbr.rel @p0 .LBB2_1-.Ltmp1, $4  }
0x93: {  	[sflag:s13] =	ssyncadd.s32 $0xFFFFC000  }
0x94: {  	_ =	swait.ge [sflag:s15], $0x4000  }
0x95: {  	[sflag:s15] =	ssyncset.done $0x0  }
0x96: {  	[sflag:s15] =	ssyncadd.s32 $0xFFFFC000  }
0x97: {  	_ =	sfence.sel $0x180000  }
0x98: {  	[bflag:$0x0] =	sbarrier.arrive $0xFFFF  }
0x99: {  	_ =	strace $0x90000047  }
0x9a: {  	s0 =	stileid.u32;
	[bflag:$0x2] =	sbarrier.arrive $0xFFFF  }
0x9b: {  	p0 =	sne.s32 s0, $0x0;
	s0 =	rddreg [dreg:$0x3]  }
0x9c: {  	s0 =	sadd.s32 @!p0 $0x100000, s0  }
0x9d: {  	[sflag:s0] =	ssyncadd.tile.s32 @!p0 $0x1;
	_ =	shalt  }
.Lfunc_end2:
_tile_overlayer_lowered:
.L_overlay_start_2:
0x9e: {  	(tag) =	ssettag $0x2  }
0x9f: {  	s0 =	rddreg [dreg:$0x0];
	s2 =	stileid.u32  }
0xa0: {  	s1 =	rddreg [dreg:$0x1];
	p0 =	sne.s32 s2, $0x0  }
0xa1: {  	s3 =	rddreg [dreg:$0x2];
	[bflag:$0x3] =	sbarrier.arrive $0xFFFF;
	s2 =	simm.s32 @!p0 $0x1C0B  }
0xa2: {  	[timem:s3], [sflag:s2] =	dma.local @!p0 [hbm:s0], s1  }
0xa3: {  	s0 =	simm.s32 @!p0 $0xB  }
0xa4: {  	_ =	swait.ge @!p0 [sflag:s0], s1  }
0xa5: {  	s1 =	ssub.s32 @!p0 $0x0, s1;
	[sflag:s0] =	ssyncset.done @!p0 $0x0  }
0xa6: {  	[sflag:s0] =	ssyncadd.s32 @!p0 s1  }
0xa7: {  	[bflag:$0x3] =	sbarrier.arrive $0xFFFF  }
0xa8: {  	_ =	shalt  }

</sc_bundles>
